<compile_context>
chip_gen: v7x
topology: tpu7x:2x2x1
jax: 0.10.2.dev20260603
libtpu: 0.0.44.dev20260713+nightly
codegen_flags: <defaults>
</compile_context>

<pallas_src>
import functools

import jax
import jax.numpy as jnp
import numpy as np
from jax import lax
from jax.experimental import pallas as pl
from jax.experimental.pallas import tpu as pltpu
from jax.experimental.pallas import tpu_sc as plsc

N = 10000
E = 320000
D = 128
K = 8
EPS = 1e-09

NC = 2
NS = 16
NW = NC * NS

B = 128
N_PAD = 10240
ROWS_PER_TILE = N_PAD // NS
N_CHUNKS = 80
E_TILE = N_CHUNKS * B
E_PAD = E_TILE * NW
DEG_W = 128

_MESH = plsc.VectorSubcoreMesh(core_axis_name="c", subcore_axis_name="s")


def _fill_2d(ref, rows, value):
    cols = ref.shape[1] // 16

    def body(i, _):
        r = i // cols
        cidx = i % cols
        ref[r, pl.ds(cidx * 16, 16)] = jnp.full((16,), value, jnp.float32)
        return 0

    lax.fori_loop(0, rows * cols, body, 0)


@functools.partial(
    pl.kernel,
    out_type=jax.ShapeDtypeStruct((NC, N_PAD, DEG_W), jnp.float32),
    mesh=_MESH,
    scratch_types=[
        pltpu.VMEM((B,), jnp.int32),
        pltpu.VMEM((B, DEG_W), jnp.float32),
        pltpu.VMEM_SHARED((N_PAD, DEG_W), jnp.float32),
        pltpu.SemaphoreType.DMA,
    ],
)
def _deg_kernel(dst_hbm, out_hbm, didx0, ones_v, acc_sh, isem):
    c = lax.axis_index("c")
    s = lax.axis_index("s")
    wid = c * NS + s
    row0 = s * ROWS_PER_TILE
    base = wid * E_TILE

    _fill_2d(ones_v, B, 0.0)
    for j in range(ROWS_PER_TILE // B):
        pltpu.sync_copy(ones_v, acc_sh.at[pl.ds(row0 + j * B, B)])
    _fill_2d(ones_v, B, 1.0)
    plsc.subcore_barrier()

    def body(i, _):
        off = base + i * B
        pltpu.sync_copy(dst_hbm.at[pl.ds(off, B)], didx0)
        pltpu.sync_copy(ones_v, acc_sh.at[didx0], add=True)
        return 0

    lax.fori_loop(0, N_CHUNKS, body, 0)
    plsc.subcore_barrier()

    pltpu.sync_copy(acc_sh.at[pl.ds(row0, ROWS_PER_TILE)],
                    out_hbm.at[c, pl.ds(row0, ROWS_PER_TILE)])


@functools.partial(
    pl.kernel,
    out_type=jax.ShapeDtypeStruct((NC, N_PAD, D), jnp.float32),
    mesh=_MESH,
    scratch_types=[
        pltpu.VMEM((B,), jnp.int32),
        pltpu.VMEM((B,), jnp.int32),
        pltpu.VMEM((B,), jnp.int32),
        pltpu.VMEM((B,), jnp.int32),
        pltpu.VMEM((B, D), jnp.float32),
        pltpu.VMEM((B, D), jnp.float32),
        pltpu.VMEM_SHARED((N_PAD, D), jnp.float32),
        pltpu.SemaphoreType.DMA,
        pltpu.SemaphoreType.DMA,
    ],
)
def _segsum_kernel(table_hbm, src_hbm, dst_hbm, out_hbm,
                   sidx0, sidx1, didx0, didx1, buf0, buf1, acc_sh,
                   gsem, isem):
    c = lax.axis_index("c")
    s = lax.axis_index("s")
    wid = c * NS + s
    row0 = s * ROWS_PER_TILE
    base = wid * E_TILE

    _fill_2d(buf0, B, 0.0)
    for j in range(ROWS_PER_TILE // B):
        pltpu.sync_copy(buf0, acc_sh.at[pl.ds(row0 + j * B, B)])
    pltpu.sync_copy(src_hbm.at[pl.ds(base, B)], sidx0)
    pltpu.sync_copy(dst_hbm.at[pl.ds(base, B)], didx0)
    plsc.subcore_barrier()

    lim = E_PAD - B

    def pair_body(g2, _):
        g = 2 * g2
        hg0 = pltpu.async_copy(table_hbm.at[sidx0], buf0, gsem)
        off1 = base + (g + 1) * B
        hs1 = pltpu.async_copy(src_hbm.at[pl.ds(off1, B)], sidx1, isem)
        hd1 = pltpu.async_copy(dst_hbm.at[pl.ds(off1, B)], didx1, isem)
        hg0.wait()
        hs1.wait()
        hd1.wait()
        hg1 = pltpu.async_copy(table_hbm.at[sidx1], buf1, gsem)
        pltpu.sync_copy(buf0, acc_sh.at[didx0], add=True)
        off2 = jnp.minimum(base + (g + 2) * B, lim)
        hs2 = pltpu.async_copy(src_hbm.at[pl.ds(off2, B)], sidx0, isem)
        hd2 = pltpu.async_copy(dst_hbm.at[pl.ds(off2, B)], didx0, isem)
        hg1.wait()
        pltpu.sync_copy(buf1, acc_sh.at[didx1], add=True)
        hs2.wait()
        hd2.wait()
        return 0

    lax.fori_loop(0, N_CHUNKS // 2, pair_body, 0)
    plsc.subcore_barrier()

    pltpu.sync_copy(acc_sh.at[pl.ds(row0, ROWS_PER_TILE)],
                    out_hbm.at[c, pl.ds(row0, ROWS_PER_TILE)])


def _norm_feat_body(d0_ref, d1_ref, feat_ref, norm_ref, f_ref):
    deg = d0_ref[...] + d1_ref[...]
    norm = lax.rsqrt(jnp.maximum(deg, 1.0))
    norm_ref[...] = norm
    f_ref[...] = feat_ref[...] * norm


def _rescale_body(p0_ref, p1_ref, norm_ref, h_ref, f2_ref):
    norm = norm_ref[...]
    h = (p0_ref[...] + p1_ref[...]) * norm
    h_ref[...] = h
    f2_ref[...] = h * norm


def _epilogue_body(q0_ref, q1_ref, norm_ref, h_ref, feat_ref,
                   wl_ref, wm_ref, wh_ref, gl_ref, gm_ref, gh_ref,
                   bias_ref, snorm_ref, out_ref):
    step = (1.0 + 2.0 * EPS) / (K - 1)
    alpha = (lax.broadcasted_iota(jnp.int32, (1, K), 1).astype(jnp.float32)
             * step - EPS)
    gl = jnp.maximum(gl_ref[...], 0.0)
    gm = jnp.maximum(gm_ref[...], 0.0)
    gh = jnp.maximum(gh_ref[...], 0.0)
    a_l = jnp.sum(alpha * gl)
    b_l = jnp.sum((1.0 - alpha) * gl)
    a_h = jnp.sum(-alpha * gh)
    b_h = jnp.sum((1.0 - alpha) * gh)
    a_m = jnp.sum(gm)
    c_m = jnp.sum(alpha * gm)

    x = feat_ref[...]
    h = h_ref[...]
    h1 = (q0_ref[...] + q1_ref[...]) * norm_ref[...]

    dn = (((1,), (1,)), ((), ()))
    o_low = lax.dot_general(a_l * h + b_l * x, wl_ref[...], dn,
                            preferred_element_type=jnp.float32)
    o_high = lax.dot_general(a_h * h + b_h * x, wh_ref[...], dn,
                             preferred_element_type=jnp.float32)
    o_mid = lax.dot_general(a_m * h1 - c_m * x, wm_ref[...], dn,
                            preferred_element_type=jnp.float32)

    def sig(v):
        return 1.0 / (1.0 + jnp.exp(-v))

    o_low = o_low * sig(o_high + o_mid)
    o_mid = o_mid * sig(o_low + o_high)
    o_high = o_high * sig(o_mid + o_low)
    out = o_low + o_mid + o_high + bias_ref[...]
    out_ref[...] = x + out * snorm_ref[...]


def kernel(feature, edge_index, snorm_n, W_low, W_mid, W_high,
           g_low, g_mid, g_high, bias):
    src = edge_index[0]
    dst = edge_index[1]
    pad = E_PAD - E
    srcp = jnp.concatenate([src, jnp.zeros((pad,), jnp.int32)])
    dstp = jnp.concatenate([dst, jnp.full((pad,), N, jnp.int32)])
    deg_parts = _deg_kernel(dstp)
    d0 = deg_parts[0, :N, 0:1]
    d1 = deg_parts[1, :N, 0:1]

    norm, f = pl.pallas_call(
        _norm_feat_body,
        out_shape=(jax.ShapeDtypeStruct((N, 1), jnp.float32),
                   jax.ShapeDtypeStruct((N, D), jnp.float32)),
    )(d0, d1, feature)

    parts1 = _segsum_kernel(f, srcp, dstp)
    h, f2 = pl.pallas_call(
        _rescale_body,
        out_shape=(jax.ShapeDtypeStruct((N, D), jnp.float32),
                   jax.ShapeDtypeStruct((N, D), jnp.float32)),
    )(parts1[0, :N], parts1[1, :N], norm)

    parts2 = _segsum_kernel(f2, srcp, dstp)

    out = pl.pallas_call(
        _epilogue_body,
        out_shape=jax.ShapeDtypeStruct((N, D), jnp.float32),
    )(parts2[0, :N], parts2[1, :N], norm, h, feature,
      W_low, W_mid, W_high,
      g_low.reshape(1, K), g_mid.reshape(1, K), g_high.reshape(1, K),
      bias.reshape(1, D), snorm_n)
    return out

# --- scband reference (transcript-rebuilt; emitter-appended) ---
"""Pipeline reference for scband-autogcnlayer-65919158059662 (READ-ONLY COPY).

The authoritative reference and input builder live on the scoring server;
editing this copy changes nothing except your own understanding.
"""

import jax, jax.numpy as jnp
import numpy as np

N = 10000
E = 320000
D = 128
K = 8
EPS = 1e-09


def setup_inputs(seed: int = 0) -> dict:
    key = jax.random.key(seed)
    ks = jax.random.split(key, 8)
    feature = jax.random.normal(ks[0], (N, D), dtype=jnp.float32)
    edge_index = jax.random.randint(ks[1], (2, E), 0, N, dtype=jnp.int32)
    snorm_n = jax.random.uniform(ks[2], (N, 1), dtype=jnp.float32)
    scale = 1.0 / np.sqrt(D)
    W_low = jax.random.normal(ks[3], (D, D), dtype=jnp.float32) * scale
    W_mid = jax.random.normal(ks[4], (D, D), dtype=jnp.float32) * scale
    W_high = jax.random.normal(ks[5], (D, D), dtype=jnp.float32) * scale
    g_low = jnp.full((K,), 1.0 / K, dtype=jnp.float32)
    g_mid = jnp.full((K,), 1.0 / K, dtype=jnp.float32)
    g_high = jnp.full((K,), 1.0 / K, dtype=jnp.float32)
    bias = jnp.zeros((D,), dtype=jnp.float32)
    return {
        'feature': feature,
        'edge_index': edge_index,
        'snorm_n': snorm_n,
        'W_low': W_low,
        'W_mid': W_mid,
        'W_high': W_high,
        'g_low': g_low,
        'g_mid': g_mid,
        'g_high': g_high,
        'bias': bias,
    }


def _mp(feat, src, dst, n):
    # DGL symmetric-norm message passing: norm = in_deg^-0.5 (clamped at 1)
    deg = jnp.zeros((n,), dtype=feat.dtype).at[dst].add(1.0)
    norm = jnp.power(jnp.clip(deg, 1.0, None), -0.5)
    f = feat * norm[:, None]
    agg = jax.ops.segment_sum(f[src], dst, num_segments=n)
    return agg * norm[:, None]


def reference(feature, edge_index, snorm_n, W_low, W_mid, W_high, g_low, g_mid, g_high, bias):
    src = edge_index[0]
    dst = edge_index[1]
    n = feature.shape[0]
    h = _mp(feature, src, dst, n)
    h1 = _mp(h, src, dst, n)
    alpha = jnp.linspace(-EPS, 1.0 + EPS, K).astype(feature.dtype)
    midalpha = alpha
    # low-pass filter branch
    gl = jax.nn.relu(g_low)
    a = jnp.dot(alpha, gl)
    b = jnp.dot(1.0 - alpha, gl)
    o_low = (a * h + b * feature) @ W_low.T
    # high-pass filter branch
    gh = jax.nn.relu(g_high)
    a = jnp.dot(-alpha, gh)
    b = jnp.dot(1.0 - alpha, gh)
    o_high = (a * h + b * feature) @ W_high.T
    # mid (band) filter branch
    gm = jax.nn.relu(g_mid)
    a = jnp.sum(gm)
    c = jnp.dot(midalpha, gm)
    o_mid = (a * h1 - c * feature) @ W_mid.T
    # sequential gating (matches in-place torch updates)
    o_low = o_low * jax.nn.sigmoid(o_high + o_mid)
    o_mid = o_mid * jax.nn.sigmoid(o_low + o_high)
    o_high = o_high * jax.nn.sigmoid(o_mid + o_low)
    out = o_low + o_mid + o_high
    out = out + bias
    out = out * snorm_n  # graph_norm=True
    out = feature + out  # residual=True (in_dim == out_dim)
    return out

if __name__ == "__main__":
    import jax
    _d = setup_inputs()
    print(jax.jit(kernel)(*tuple(_d.values())))

</pallas_src>

<mosaic_0001>
#map = affine_map<(d0, d1) -> (0)>
#map1 = affine_map<(d0, d1) -> (0, 0, 0)>
module attributes {stable_mosaic.version = 14 : i64} {
  func.func @_deg_kernel(%arg0: i32, %arg1: i32, %arg2: memref<327680xi32, #tpu.memory_space<hbm>>, %arg3: memref<2x10240x128xf32, #tpu.memory_space<hbm>>, %arg4: memref<128xi32, #tpu.memory_space<vmem>>, %arg5: memref<128x128xf32, #tpu.memory_space<vmem>>, %arg6: memref<10240x128xf32, #tpu.memory_space<vmem_shared>>, %arg7: memref<!tpu.dma_semaphore, #tpu.memory_space<semaphore_mem>>) attributes {dimension_semantics = [#tpu.dimension_semantics<core_parallel>, #tpu.dimension_semantics<subcore_parallel>], iteration_bounds = array<i64: 2, 16>, scalar_prefetch = 0 : i64, scratch_operands = 4 : i64, tpu.core_type = #tpu.core_type<sc_vector_subcore>, window_params = [{transform_indices = #map}, {transform_indices = #map1}]} {
    %mul3A = arith.constant 16 : i32
    %mul3A_0 = arith.muli %arg0, %mul3A : i32
    %add3A = arith.addi %mul3A_0, %arg1 : i32
    %mul3A_1 = arith.constant 640 : i32
    %mul3A_2 = arith.muli %arg1, %mul3A_1 : i32
    %mul3A_3 = arith.constant 10240 : i32
    %mul3A_4 = arith.muli %add3A, %mul3A_3 : i32
    %scan3A = arith.constant 0 : i32
    %scan3A_5 = arith.constant 0 : i32
    %scan3A_6 = arith.constant 1024 : i32
    %scan3A_7 = arith.addi %scan3A_5, %scan3A_6 : i32
    %scan3A_8 = arith.constant 1 : i32
    %scan3A_9 = scf.for %scan3A_36 = %scan3A_5 to %scan3A_7 step %scan3A_8 iter_args(%scan3A_37 = %scan3A) -> (i32)  : i32 {
      %jit3A = arith.constant 8 : i32
      %div3A = arith.divsi %scan3A_36, %jit3A : i32
      %sign3A = arith.constant 0 : i32
      %sign3A_38 = arith.cmpi sgt, %scan3A_36, %sign3A : i32
      %sign3A_39 = arith.extui %sign3A_38 : i1 to i32
      %sign3A_40 = arith.constant 0 : i32
      %sign3A_41 = arith.cmpi slt, %scan3A_36, %sign3A_40 : i32
      %sign3A_42 = arith.extui %sign3A_41 : i1 to i32
      %sign3A_43 = arith.subi %sign3A_39, %sign3A_42 : i32
      %sign3A_44 = arith.constant 0 : i32
      %sign3A_45 = arith.cmpi sgt, %jit3A, %sign3A_44 : i32
      %sign3A_46 = arith.extui %sign3A_45 : i1 to i32
      %sign3A_47 = arith.constant 0 : i32
      %sign3A_48 = arith.cmpi slt, %jit3A, %sign3A_47 : i32
      %sign3A_49 = arith.extui %sign3A_48 : i1 to i32
      %sign3A_50 = arith.subi %sign3A_46, %sign3A_49 : i32
      %ne3A = arith.cmpi ne, %sign3A_43, %sign3A_50 : i32
      %rem3A = arith.remsi %scan3A_36, %jit3A : i32
      %ne3A_51 = arith.constant 0 : i32
      %ne3A_52 = arith.cmpi ne, %rem3A, %ne3A_51 : i32
      %and3A = arith.andi %ne3A, %ne3A_52 : i1
      %sub3A = arith.constant 1 : i32
      %sub3A_53 = arith.subi %div3A, %sub3A : i32
      %select_n3A = arith.select %and3A, %sub3A_53, %div3A : i32
      %jit3A_54 = arith.constant 8 : i32
      %eq3A = arith.constant 0 : i32
      %eq3A_55 = arith.cmpi eq, %jit3A_54, %eq3A : i32
      %jit3A_56 = arith.constant 1 : i32
      %select_n3A_57 = arith.select %eq3A_55, %jit3A_56, %jit3A_54 : i32
      %rem3A_58 = arith.remsi %scan3A_36, %select_n3A_57 : i32
      %ne3A_59 = arith.constant 0 : i32
      %ne3A_60 = arith.cmpi ne, %rem3A_58, %ne3A_59 : i32
      %lt3A = arith.constant 0 : i32
      %lt3A_61 = arith.cmpi slt, %rem3A_58, %lt3A : i32
      %lt3A_62 = arith.constant 0 : i32
      %lt3A_63 = arith.cmpi slt, %select_n3A_57, %lt3A_62 : i32
      %ne3A_64 = arith.xori %lt3A_61, %lt3A_63 : i1
      %and3A_65 = arith.andi %ne3A_64, %ne3A_60 : i1
      %add3A_66 = arith.addi %rem3A_58, %select_n3A_57 : i32
      %select_n3A_67 = arith.select %and3A_65, %add3A_66, %rem3A_58 : i32
      %broadcast_in_dim3A = arith.constant 0.000000e+00 : f32
      %broadcast_in_dim3A_68 = vector.broadcast %broadcast_in_dim3A : f32 to vector<16xf32>
      %mul3A_69 = arith.constant 16 : i32
      %mul3A_70 = arith.muli %select_n3A_67, %mul3A_69 : i32
      %swap3A = arith.index_cast %select_n3A : i32 to index
      %swap3A_71 = arith.index_cast %mul3A_70 : i32 to index
      %swap3A_72 = tpu.vector_load %arg5[%swap3A, %swap3A_71] {strides = array<i32>} : memref<128x128xf32, #tpu.memory_space<vmem>>, vector<1x16xf32>,
      %swap3A_73 = vector.shape_cast %swap3A_72 : vector<1x16xf32> to vector<16xf32>
      %swap3A_74 = vector.shape_cast %broadcast_in_dim3A_68 : vector<16xf32> to vector<1x16xf32>
      tpu.vector_store %arg5[%swap3A, %swap3A_71], %swap3A_74 {strides = array<i32>} : memref<128x128xf32, #tpu.memory_space<vmem>>, vector<1x16xf32>,
      %scan3A_75 = arith.constant 0 : i32
      scf.yield %scan3A_75 : i32
    }
    %scan3A_10 = arith.constant 1024 : i32
    %add3A_11 = arith.constant 0 : i32
    %add3A_12 = arith.addi %mul3A_2, %add3A_11 : i32
    "tpu.region"() ({
      %run_scoped3A = tpu.sem_alloc : memref<!tpu.dma_semaphore, #tpu.memory_space<semaphore_mem>>
      %dma_start3A = arith.constant 0 : i32
      %dma_start3A_36 = tpu.memref_slice %arg6[%add3A_12, %dma_start3A] : memref<10240x128xf32, #tpu.memory_space<vmem_shared>> -> memref<128x128xf32, #tpu.memory_space<vmem_shared>>
      %dma_start3A_37 = arith.constant 0 : i32
      %dma_start3A_38 = tpu.memref_slice %arg6[%add3A_12, %dma_start3A_37] : memref<10240x128xf32, #tpu.memory_space<vmem_shared>> -> memref<128x128xf32, #tpu.memory_space<vmem_shared>>
      tpu.enqueue_dma source(%arg5 : memref<128x128xf32, #tpu.memory_space<vmem>>) target(%dma_start3A_38 : memref<128x128xf32, #tpu.memory_space<vmem_shared>>) target_semaphore(%run_scoped3A : memref<!tpu.dma_semaphore, #tpu.memory_space<semaphore_mem>>)
      %dma_wait3A = arith.constant 0 : i32
      %dma_wait3A_39 = tpu.memref_slice %arg6[%add3A_12, %dma_wait3A] : memref<10240x128xf32, #tpu.memory_space<vmem_shared>> -> memref<128x128xf32, #tpu.memory_space<vmem_shared>>
      %dma_wait3A_40 = arith.constant 0 : i32
      %dma_wait3A_41 = tpu.memref_slice %arg6[%add3A_12, %dma_wait3A_40] : memref<10240x128xf32, #tpu.memory_space<vmem_shared>> -> memref<128x128xf32, #tpu.memory_space<vmem_shared>>
      tpu.wait_dma2 semaphore(%run_scoped3A : memref<!tpu.dma_semaphore, #tpu.memory_space<semaphore_mem>>) src(%arg5 : memref<128x128xf32, #tpu.memory_space<vmem>>) dst(%dma_wait3A_41 : memref<128x128xf32, #tpu.memory_space<vmem_shared>>)
      tpu.yield
    }) : () -> ()
    %add3A_13 = arith.constant 128 : i32
    %add3A_14 = arith.addi %mul3A_2, %add3A_13 : i32
    "tpu.region"() ({
      %run_scoped3A = tpu.sem_alloc : memref<!tpu.dma_semaphore, #tpu.memory_space<semaphore_mem>>
      %dma_start3A = arith.constant 0 : i32
      %dma_start3A_36 = tpu.memref_slice %arg6[%add3A_14, %dma_start3A] : memref<10240x128xf32, #tpu.memory_space<vmem_shared>> -> memref<128x128xf32, #tpu.memory_space<vmem_shared>>
      %dma_start3A_37 = arith.constant 0 : i32
      %dma_start3A_38 = tpu.memref_slice %arg6[%add3A_14, %dma_start3A_37] : memref<10240x128xf32, #tpu.memory_space<vmem_shared>> -> memref<128x128xf32, #tpu.memory_space<vmem_shared>>
      tpu.enqueue_dma source(%arg5 : memref<128x128xf32, #tpu.memory_space<vmem>>) target(%dma_start3A_38 : memref<128x128xf32, #tpu.memory_space<vmem_shared>>) target_semaphore(%run_scoped3A : memref<!tpu.dma_semaphore, #tpu.memory_space<semaphore_mem>>)
      %dma_wait3A = arith.constant 0 : i32
      %dma_wait3A_39 = tpu.memref_slice %arg6[%add3A_14, %dma_wait3A] : memref<10240x128xf32, #tpu.memory_space<vmem_shared>> -> memref<128x128xf32, #tpu.memory_space<vmem_shared>>
      %dma_wait3A_40 = arith.constant 0 : i32
      %dma_wait3A_41 = tpu.memref_slice %arg6[%add3A_14, %dma_wait3A_40] : memref<10240x128xf32, #tpu.memory_space<vmem_shared>> -> memref<128x128xf32, #tpu.memory_space<vmem_shared>>
      tpu.wait_dma2 semaphore(%run_scoped3A : memref<!tpu.dma_semaphore, #tpu.memory_space<semaphore_mem>>) src(%arg5 : memref<128x128xf32, #tpu.memory_space<vmem>>) dst(%dma_wait3A_41 : memref<128x128xf32, #tpu.memory_space<vmem_shared>>)
      tpu.yield
    }) : () -> ()
    %add3A_15 = arith.constant 256 : i32
    %add3A_16 = arith.addi %mul3A_2, %add3A_15 : i32
    "tpu.region"() ({
      %run_scoped3A = tpu.sem_alloc : memref<!tpu.dma_semaphore, #tpu.memory_space<semaphore_mem>>
      %dma_start3A = arith.constant 0 : i32
      %dma_start3A_36 = tpu.memref_slice %arg6[%add3A_16, %dma_start3A] : memref<10240x128xf32, #tpu.memory_space<vmem_shared>> -> memref<128x128xf32, #tpu.memory_space<vmem_shared>>
      %dma_start3A_37 = arith.constant 0 : i32
      %dma_start3A_38 = tpu.memref_slice %arg6[%add3A_16, %dma_start3A_37] : memref<10240x128xf32, #tpu.memory_space<vmem_shared>> -> memref<128x128xf32, #tpu.memory_space<vmem_shared>>
      tpu.enqueue_dma source(%arg5 : memref<128x128xf32, #tpu.memory_space<vmem>>) target(%dma_start3A_38 : memref<128x128xf32, #tpu.memory_space<vmem_shared>>) target_semaphore(%run_scoped3A : memref<!tpu.dma_semaphore, #tpu.memory_space<semaphore_mem>>)
      %dma_wait3A = arith.constant 0 : i32
      %dma_wait3A_39 = tpu.memref_slice %arg6[%add3A_16, %dma_wait3A] : memref<10240x128xf32, #tpu.memory_space<vmem_shared>> -> memref<128x128xf32, #tpu.memory_space<vmem_shared>>
      %dma_wait3A_40 = arith.constant 0 : i32
      %dma_wait3A_41 = tpu.memref_slice %arg6[%add3A_16, %dma_wait3A_40] : memref<10240x128xf32, #tpu.memory_space<vmem_shared>> -> memref<128x128xf32, #tpu.memory_space<vmem_shared>>
      tpu.wait_dma2 semaphore(%run_scoped3A : memref<!tpu.dma_semaphore, #tpu.memory_space<semaphore_mem>>) src(%arg5 : memref<128x128xf32, #tpu.memory_space<vmem>>) dst(%dma_wait3A_41 : memref<128x128xf32, #tpu.memory_space<vmem_shared>>)
      tpu.yield
    }) : () -> ()
    %add3A_17 = arith.constant 384 : i32
    %add3A_18 = arith.addi %mul3A_2, %add3A_17 : i32
    "tpu.region"() ({
      %run_scoped3A = tpu.sem_alloc : memref<!tpu.dma_semaphore, #tpu.memory_space<semaphore_mem>>
      %dma_start3A = arith.constant 0 : i32
      %dma_start3A_36 = tpu.memref_slice %arg6[%add3A_18, %dma_start3A] : memref<10240x128xf32, #tpu.memory_space<vmem_shared>> -> memref<128x128xf32, #tpu.memory_space<vmem_shared>>
      %dma_start3A_37 = arith.constant 0 : i32
      %dma_start3A_38 = tpu.memref_slice %arg6[%add3A_18, %dma_start3A_37] : memref<10240x128xf32, #tpu.memory_space<vmem_shared>> -> memref<128x128xf32, #tpu.memory_space<vmem_shared>>
      tpu.enqueue_dma source(%arg5 : memref<128x128xf32, #tpu.memory_space<vmem>>) target(%dma_start3A_38 : memref<128x128xf32, #tpu.memory_space<vmem_shared>>) target_semaphore(%run_scoped3A : memref<!tpu.dma_semaphore, #tpu.memory_space<semaphore_mem>>)
      %dma_wait3A = arith.constant 0 : i32
      %dma_wait3A_39 = tpu.memref_slice %arg6[%add3A_18, %dma_wait3A] : memref<10240x128xf32, #tpu.memory_space<vmem_shared>> -> memref<128x128xf32, #tpu.memory_space<vmem_shared>>
      %dma_wait3A_40 = arith.constant 0 : i32
      %dma_wait3A_41 = tpu.memref_slice %arg6[%add3A_18, %dma_wait3A_40] : memref<10240x128xf32, #tpu.memory_space<vmem_shared>> -> memref<128x128xf32, #tpu.memory_space<vmem_shared>>
      tpu.wait_dma2 semaphore(%run_scoped3A : memref<!tpu.dma_semaphore, #tpu.memory_space<semaphore_mem>>) src(%arg5 : memref<128x128xf32, #tpu.memory_space<vmem>>) dst(%dma_wait3A_41 : memref<128x128xf32, #tpu.memory_space<vmem_shared>>)
      tpu.yield
    }) : () -> ()
    %add3A_19 = arith.constant 512 : i32
    %add3A_20 = arith.addi %mul3A_2, %add3A_19 : i32
    "tpu.region"() ({
      %run_scoped3A = tpu.sem_alloc : memref<!tpu.dma_semaphore, #tpu.memory_space<semaphore_mem>>
      %dma_start3A = arith.constant 0 : i32
      %dma_start3A_36 = tpu.memref_slice %arg6[%add3A_20, %dma_start3A] : memref<10240x128xf32, #tpu.memory_space<vmem_shared>> -> memref<128x128xf32, #tpu.memory_space<vmem_shared>>
      %dma_start3A_37 = arith.constant 0 : i32
      %dma_start3A_38 = tpu.memref_slice %arg6[%add3A_20, %dma_start3A_37] : memref<10240x128xf32, #tpu.memory_space<vmem_shared>> -> memref<128x128xf32, #tpu.memory_space<vmem_shared>>
      tpu.enqueue_dma source(%arg5 : memref<128x128xf32, #tpu.memory_space<vmem>>) target(%dma_start3A_38 : memref<128x128xf32, #tpu.memory_space<vmem_shared>>) target_semaphore(%run_scoped3A : memref<!tpu.dma_semaphore, #tpu.memory_space<semaphore_mem>>)
      %dma_wait3A = arith.constant 0 : i32
      %dma_wait3A_39 = tpu.memref_slice %arg6[%add3A_20, %dma_wait3A] : memref<10240x128xf32, #tpu.memory_space<vmem_shared>> -> memref<128x128xf32, #tpu.memory_space<vmem_shared>>
      %dma_wait3A_40 = arith.constant 0 : i32
      %dma_wait3A_41 = tpu.memref_slice %arg6[%add3A_20, %dma_wait3A_40] : memref<10240x128xf32, #tpu.memory_space<vmem_shared>> -> memref<128x128xf32, #tpu.memory_space<vmem_shared>>
      tpu.wait_dma2 semaphore(%run_scoped3A : memref<!tpu.dma_semaphore, #tpu.memory_space<semaphore_mem>>) src(%arg5 : memref<128x128xf32, #tpu.memory_space<vmem>>) dst(%dma_wait3A_41 : memref<128x128xf32, #tpu.memory_space<vmem_shared>>)
      tpu.yield
    }) : () -> ()
    %scan3A_21 = arith.constant 0 : i32
    %scan3A_22 = arith.constant 0 : i32
    %scan3A_23 = arith.constant 1024 : i32
    %scan3A_24 = arith.addi %scan3A_22, %scan3A_23 : i32
    %scan3A_25 = arith.constant 1 : i32
    %scan3A_26 = scf.for %scan3A_36 = %scan3A_22 to %scan3A_24 step %scan3A_25 iter_args(%scan3A_37 = %scan3A_21) -> (i32)  : i32 {
      %jit3A = arith.constant 8 : i32
      %div3A = arith.divsi %scan3A_36, %jit3A : i32
      %sign3A = arith.constant 0 : i32
      %sign3A_38 = arith.cmpi sgt, %scan3A_36, %sign3A : i32
      %sign3A_39 = arith.extui %sign3A_38 : i1 to i32
      %sign3A_40 = arith.constant 0 : i32
      %sign3A_41 = arith.cmpi slt, %scan3A_36, %sign3A_40 : i32
      %sign3A_42 = arith.extui %sign3A_41 : i1 to i32
      %sign3A_43 = arith.subi %sign3A_39, %sign3A_42 : i32
      %sign3A_44 = arith.constant 0 : i32
      %sign3A_45 = arith.cmpi sgt, %jit3A, %sign3A_44 : i32
      %sign3A_46 = arith.extui %sign3A_45 : i1 to i32
      %sign3A_47 = arith.constant 0 : i32
      %sign3A_48 = arith.cmpi slt, %jit3A, %sign3A_47 : i32
      %sign3A_49 = arith.extui %sign3A_48 : i1 to i32
      %sign3A_50 = arith.subi %sign3A_46, %sign3A_49 : i32
      %ne3A = arith.cmpi ne, %sign3A_43, %sign3A_50 : i32
      %rem3A = arith.remsi %scan3A_36, %jit3A : i32
      %ne3A_51 = arith.constant 0 : i32
      %ne3A_52 = arith.cmpi ne, %rem3A, %ne3A_51 : i32
      %and3A = arith.andi %ne3A, %ne3A_52 : i1
      %sub3A = arith.constant 1 : i32
      %sub3A_53 = arith.subi %div3A, %sub3A : i32
      %select_n3A = arith.select %and3A, %sub3A_53, %div3A : i32
      %jit3A_54 = arith.constant 8 : i32
      %eq3A = arith.constant 0 : i32
      %eq3A_55 = arith.cmpi eq, %jit3A_54, %eq3A : i32
      %jit3A_56 = arith.constant 1 : i32
      %select_n3A_57 = arith.select %eq3A_55, %jit3A_56, %jit3A_54 : i32
      %rem3A_58 = arith.remsi %scan3A_36, %select_n3A_57 : i32
      %ne3A_59 = arith.constant 0 : i32
      %ne3A_60 = arith.cmpi ne, %rem3A_58, %ne3A_59 : i32
      %lt3A = arith.constant 0 : i32
      %lt3A_61 = arith.cmpi slt, %rem3A_58, %lt3A : i32
      %lt3A_62 = arith.constant 0 : i32
      %lt3A_63 = arith.cmpi slt, %select_n3A_57, %lt3A_62 : i32
      %ne3A_64 = arith.xori %lt3A_61, %lt3A_63 : i1
      %and3A_65 = arith.andi %ne3A_64, %ne3A_60 : i1
      %add3A_66 = arith.addi %rem3A_58, %select_n3A_57 : i32
      %select_n3A_67 = arith.select %and3A_65, %add3A_66, %rem3A_58 : i32
      %broadcast_in_dim3A = arith.constant 1.000000e+00 : f32
      %broadcast_in_dim3A_68 = vector.broadcast %broadcast_in_dim3A : f32 to vector<16xf32>
      %mul3A_69 = arith.constant 16 : i32
      %mul3A_70 = arith.muli %select_n3A_67, %mul3A_69 : i32
      %swap3A = arith.index_cast %select_n3A : i32 to index
      %swap3A_71 = arith.index_cast %mul3A_70 : i32 to index
      %swap3A_72 = tpu.vector_load %arg5[%swap3A, %swap3A_71] {strides = array<i32>} : memref<128x128xf32, #tpu.memory_space<vmem>>, vector<1x16xf32>,
      %swap3A_73 = vector.shape_cast %swap3A_72 : vector<1x16xf32> to vector<16xf32>
      %swap3A_74 = vector.shape_cast %broadcast_in_dim3A_68 : vector<16xf32> to vector<1x16xf32>
      tpu.vector_store %arg5[%swap3A, %swap3A_71], %swap3A_74 {strides = array<i32>} : memref<128x128xf32, #tpu.memory_space<vmem>>, vector<1x16xf32>,
      %scan3A_75 = arith.constant 0 : i32
      scf.yield %scan3A_75 : i32
    }
    %scan3A_27 = arith.constant 1024 : i32
    %barrier3A = arith.constant 0 : index
    tpu.barrier barrier_id(%barrier3A)
    %scan3A_28 = arith.constant 0 : i32
    %scan3A_29 = arith.constant 0 : i32
    %scan3A_30 = arith.constant 80 : i32
    %scan3A_31 = arith.addi %scan3A_29, %scan3A_30 : i32
    %scan3A_32 = arith.constant 1 : i32
    %scan3A_33 = scf.for %scan3A_36 = %scan3A_29 to %scan3A_31 step %scan3A_32 iter_args(%scan3A_37 = %scan3A_28) -> (i32)  : i32 {
      %mul3A_38 = arith.constant 128 : i32
      %mul3A_39 = arith.muli %scan3A_36, %mul3A_38 : i32
      %add3A_40 = arith.addi %mul3A_4, %mul3A_39 : i32
      "tpu.region"() ({
        %run_scoped3A = tpu.sem_alloc : memref<!tpu.dma_semaphore, #tpu.memory_space<semaphore_mem>>
        %dma_start3A = tpu.memref_slice %arg2[%add3A_40] : memref<327680xi32, #tpu.memory_space<hbm>> -> memref<128xi32, #tpu.memory_space<hbm>>
        %dma_start3A_42 = tpu.memref_slice %arg2[%add3A_40] : memref<327680xi32, #tpu.memory_space<hbm>> -> memref<128xi32, #tpu.memory_space<hbm>>
        tpu.enqueue_dma source(%dma_start3A_42 : memref<128xi32, #tpu.memory_space<hbm>>) target(%arg4 : memref<128xi32, #tpu.memory_space<vmem>>) target_semaphore(%run_scoped3A : memref<!tpu.dma_semaphore, #tpu.memory_space<semaphore_mem>>)
        %dma_wait3A = tpu.memref_slice %arg2[%add3A_40] : memref<327680xi32, #tpu.memory_space<hbm>> -> memref<128xi32, #tpu.memory_space<hbm>>
        %dma_wait3A_43 = tpu.memref_slice %arg2[%add3A_40] : memref<327680xi32, #tpu.memory_space<hbm>> -> memref<128xi32, #tpu.memory_space<hbm>>
        tpu.wait_dma2 semaphore(%run_scoped3A : memref<!tpu.dma_semaphore, #tpu.memory_space<semaphore_mem>>) src(%dma_wait3A_43 : memref<128xi32, #tpu.memory_space<hbm>>) dst(%arg4 : memref<128xi32, #tpu.memory_space<vmem>>)
        tpu.yield
      }) : () -> ()
      "tpu.region"() ({
        %run_scoped3A = tpu.sem_alloc : memref<!tpu.dma_semaphore, #tpu.memory_space<semaphore_mem>>
        %dma_start3A = arith.constant 0 : i32
        %dma_start3A_42 = arith.constant 0 : i32
        %dma_start3A_43 = tpu.memref_slice %arg6[%dma_start3A, %dma_start3A_42] : memref<10240x128xf32, #tpu.memory_space<vmem_shared>> -> memref<10240x128xf32, #tpu.memory_space<vmem_shared>>
        tpu.enqueue_indirect_dma source(%arg5 : memref<128x128xf32, #tpu.memory_space<vmem>>) target(%dma_start3A_43 : memref<10240x128xf32, #tpu.memory_space<vmem_shared>>) offsets(%arg4 : memref<128xi32, #tpu.memory_space<vmem>>) semaphore(%run_scoped3A : memref<!tpu.dma_semaphore, #tpu.memory_space<semaphore_mem>>) {add = true}
        %dma_wait3A = arith.constant 0 : i32
        %dma_wait3A_44 = arith.constant 0 : i32
        %dma_wait3A_45 = tpu.memref_slice %arg6[%dma_wait3A, %dma_wait3A_44] : memref<10240x128xf32, #tpu.memory_space<vmem_shared>> -> memref<10240x128xf32, #tpu.memory_space<vmem_shared>>
        tpu.wait_indirect_dma semaphore(%run_scoped3A : memref<!tpu.dma_semaphore, #tpu.memory_space<semaphore_mem>>) src(%arg5 : memref<128x128xf32, #tpu.memory_space<vmem>>) dst(%dma_wait3A_45 : memref<10240x128xf32, #tpu.memory_space<vmem_shared>>)
        tpu.yield
      }) : () -> ()
      %scan3A_41 = arith.constant 0 : i32
      scf.yield %scan3A_41 : i32
    }
    %scan3A_34 = arith.constant 80 : i32
    %barrier3A_35 = arith.constant 0 : index
    tpu.barrier barrier_id(%barrier3A_35)
    "tpu.region"() ({
      %run_scoped3A = tpu.sem_alloc : memref<!tpu.dma_semaphore, #tpu.memory_space<semaphore_mem>>
      %dma_start3A = arith.constant 0 : i32
      %dma_start3A_36 = tpu.memref_slice %arg3[%arg0, %mul3A_2, %dma_start3A] : memref<2x10240x128xf32, #tpu.memory_space<hbm>> -> memref<1x640x128xf32, #tpu.memory_space<hbm>>
      %dma_start3A_37 = tpu.memref_squeeze %dma_start3A_36 : memref<1x640x128xf32, #tpu.memory_space<hbm>> -> memref<640x128xf32, #tpu.memory_space<hbm>>
      %dma_start3A_38 = arith.constant 0 : i32
      %dma_start3A_39 = tpu.memref_slice %arg6[%mul3A_2, %dma_start3A_38] : memref<10240x128xf32, #tpu.memory_space<vmem_shared>> -> memref<640x128xf32, #tpu.memory_space<vmem_shared>>
      tpu.enqueue_dma source(%dma_start3A_39 : memref<640x128xf32, #tpu.memory_space<vmem_shared>>) target(%dma_start3A_37 : memref<640x128xf32, #tpu.memory_space<hbm>>) target_semaphore(%run_scoped3A : memref<!tpu.dma_semaphore, #tpu.memory_space<semaphore_mem>>)
      %dma_wait3A = arith.constant 0 : i32
      %dma_wait3A_40 = tpu.memref_slice %arg3[%arg0, %mul3A_2, %dma_wait3A] : memref<2x10240x128xf32, #tpu.memory_space<hbm>> -> memref<1x640x128xf32, #tpu.memory_space<hbm>>
      %dma_wait3A_41 = tpu.memref_squeeze %dma_wait3A_40 : memref<1x640x128xf32, #tpu.memory_space<hbm>> -> memref<640x128xf32, #tpu.memory_space<hbm>>
      %dma_wait3A_42 = arith.constant 0 : i32
      %dma_wait3A_43 = tpu.memref_slice %arg6[%mul3A_2, %dma_wait3A_42] : memref<10240x128xf32, #tpu.memory_space<vmem_shared>> -> memref<640x128xf32, #tpu.memory_space<vmem_shared>>
      tpu.wait_dma2 semaphore(%run_scoped3A : memref<!tpu.dma_semaphore, #tpu.memory_space<semaphore_mem>>) src(%dma_wait3A_43 : memref<640x128xf32, #tpu.memory_space<vmem_shared>>) dst(%dma_wait3A_41 : memref<640x128xf32, #tpu.memory_space<hbm>>)
      tpu.yield
    }) : () -> ()
    return
  }
}

#map = affine_map<(d0, d1) -> (0, 0)>
#map1 = affine_map<(d0, d1) -> (0)>
#map2 = affine_map<(d0, d1) -> (0, 0, 0)>
module attributes {stable_mosaic.version = 14 : i64} {
  func.func @_segsum_kernel(%arg0: i32, %arg1: i32, %arg2: memref<10000x128xf32, #tpu.memory_space<hbm>>, %arg3: memref<327680xi32, #tpu.memory_space<hbm>>, %arg4: memref<327680xi32, #tpu.memory_space<hbm>>, %arg5: memref<2x10240x128xf32, #tpu.memory_space<hbm>>, %arg6: memref<128xi32, #tpu.memory_space<vmem>>, %arg7: memref<128xi32, #tpu.memory_space<vmem>>, %arg8: memref<128xi32, #tpu.memory_space<vmem>>, %arg9: memref<128xi32, #tpu.memory_space<vmem>>, %arg10: memref<128x128xf32, #tpu.memory_space<vmem>>, %arg11: memref<128x128xf32, #tpu.memory_space<vmem>>, %arg12: memref<10240x128xf32, #tpu.memory_space<vmem_shared>>, %arg13: memref<!tpu.dma_semaphore, #tpu.memory_space<semaphore_mem>>, %arg14: memref<!tpu.dma_semaphore, #tpu.memory_space<semaphore_mem>>) attributes {dimension_semantics = [#tpu.dimension_semantics<core_parallel>, #tpu.dimension_semantics<subcore_parallel>], iteration_bounds = array<i64: 2, 16>, scalar_prefetch = 0 : i64, scratch_operands = 9 : i64, tpu.core_type = #tpu.core_type<sc_vector_subcore>, window_params = [{transform_indices = #map}, {transform_indices = #map1}, {transform_indices = #map1}, {transform_indices = #map2}]} {
    %mul3A = arith.constant 16 : i32
    %mul3A_0 = arith.muli %arg0, %mul3A : i32
    %add3A = arith.addi %mul3A_0, %arg1 : i32
    %mul3A_1 = arith.constant 640 : i32
    %mul3A_2 = arith.muli %arg1, %mul3A_1 : i32
    %mul3A_3 = arith.constant 10240 : i32
    %mul3A_4 = arith.muli %add3A, %mul3A_3 : i32
    %scan3A = arith.constant 0 : i32
    %scan3A_5 = arith.constant 0 : i32
    %scan3A_6 = arith.constant 1024 : i32
    %scan3A_7 = arith.addi %scan3A_5, %scan3A_6 : i32
    %scan3A_8 = arith.constant 1 : i32
    %scan3A_9 = scf.for %scan3A_29 = %scan3A_5 to %scan3A_7 step %scan3A_8 iter_args(%scan3A_30 = %scan3A) -> (i32)  : i32 {
      %jit3A = arith.constant 8 : i32
      %div3A = arith.divsi %scan3A_29, %jit3A : i32
      %sign3A = arith.constant 0 : i32
      %sign3A_31 = arith.cmpi sgt, %scan3A_29, %sign3A : i32
      %sign3A_32 = arith.extui %sign3A_31 : i1 to i32
      %sign3A_33 = arith.constant 0 : i32
      %sign3A_34 = arith.cmpi slt, %scan3A_29, %sign3A_33 : i32
      %sign3A_35 = arith.extui %sign3A_34 : i1 to i32
      %sign3A_36 = arith.subi %sign3A_32, %sign3A_35 : i32
      %sign3A_37 = arith.constant 0 : i32
      %sign3A_38 = arith.cmpi sgt, %jit3A, %sign3A_37 : i32
      %sign3A_39 = arith.extui %sign3A_38 : i1 to i32
      %sign3A_40 = arith.constant 0 : i32
      %sign3A_41 = arith.cmpi slt, %jit3A, %sign3A_40 : i32
      %sign3A_42 = arith.extui %sign3A_41 : i1 to i32
      %sign3A_43 = arith.subi %sign3A_39, %sign3A_42 : i32
      %ne3A = arith.cmpi ne, %sign3A_36, %sign3A_43 : i32
      %rem3A = arith.remsi %scan3A_29, %jit3A : i32
      %ne3A_44 = arith.constant 0 : i32
      %ne3A_45 = arith.cmpi ne, %rem3A, %ne3A_44 : i32
      %and3A = arith.andi %ne3A, %ne3A_45 : i1
      %sub3A = arith.constant 1 : i32
      %sub3A_46 = arith.subi %div3A, %sub3A : i32
      %select_n3A = arith.select %and3A, %sub3A_46, %div3A : i32
      %jit3A_47 = arith.constant 8 : i32
      %eq3A = arith.constant 0 : i32
      %eq3A_48 = arith.cmpi eq, %jit3A_47, %eq3A : i32
      %jit3A_49 = arith.constant 1 : i32
      %select_n3A_50 = arith.select %eq3A_48, %jit3A_49, %jit3A_47 : i32
      %rem3A_51 = arith.remsi %scan3A_29, %select_n3A_50 : i32
      %ne3A_52 = arith.constant 0 : i32
      %ne3A_53 = arith.cmpi ne, %rem3A_51, %ne3A_52 : i32
      %lt3A = arith.constant 0 : i32
      %lt3A_54 = arith.cmpi slt, %rem3A_51, %lt3A : i32
      %lt3A_55 = arith.constant 0 : i32
      %lt3A_56 = arith.cmpi slt, %select_n3A_50, %lt3A_55 : i32
      %ne3A_57 = arith.xori %lt3A_54, %lt3A_56 : i1
      %and3A_58 = arith.andi %ne3A_57, %ne3A_53 : i1
      %add3A_59 = arith.addi %rem3A_51, %select_n3A_50 : i32
      %select_n3A_60 = arith.select %and3A_58, %add3A_59, %rem3A_51 : i32
      %broadcast_in_dim3A = arith.constant 0.000000e+00 : f32
      %broadcast_in_dim3A_61 = vector.broadcast %broadcast_in_dim3A : f32 to vector<16xf32>
      %mul3A_62 = arith.constant 16 : i32
      %mul3A_63 = arith.muli %select_n3A_60, %mul3A_62 : i32
      %swap3A = arith.index_cast %select_n3A : i32 to index
      %swap3A_64 = arith.index_cast %mul3A_63 : i32 to index
      %swap3A_65 = tpu.vector_load %arg10[%swap3A, %swap3A_64] {strides = array<i32>} : memref<128x128xf32, #tpu.memory_space<vmem>>, vector<1x16xf32>,
      %swap3A_66 = vector.shape_cast %swap3A_65 : vector<1x16xf32> to vector<16xf32>
      %swap3A_67 = vector.shape_cast %broadcast_in_dim3A_61 : vector<16xf32> to vector<1x16xf32>
      tpu.vector_store %arg10[%swap3A, %swap3A_64], %swap3A_67 {strides = array<i32>} : memref<128x128xf32, #tpu.memory_space<vmem>>, vector<1x16xf32>,
      %scan3A_68 = arith.constant 0 : i32
      scf.yield %scan3A_68 : i32
    }
    %scan3A_10 = arith.constant 1024 : i32
    %add3A_11 = arith.constant 0 : i32
    %add3A_12 = arith.addi %mul3A_2, %add3A_11 : i32
    "tpu.region"() ({
      %run_scoped3A = tpu.sem_alloc : memref<!tpu.dma_semaphore, #tpu.memory_space<semaphore_mem>>
      %dma_start3A = arith.constant 0 : i32
      %dma_start3A_29 = tpu.memref_slice %arg12[%add3A_12, %dma_start3A] : memref<10240x128xf32, #tpu.memory_space<vmem_shared>> -> memref<128x128xf32, #tpu.memory_space<vmem_shared>>
      %dma_start3A_30 = arith.constant 0 : i32
      %dma_start3A_31 = tpu.memref_slice %arg12[%add3A_12, %dma_start3A_30] : memref<10240x128xf32, #tpu.memory_space<vmem_shared>> -> memref<128x128xf32, #tpu.memory_space<vmem_shared>>
      tpu.enqueue_dma source(%arg10 : memref<128x128xf32, #tpu.memory_space<vmem>>) target(%dma_start3A_31 : memref<128x128xf32, #tpu.memory_space<vmem_shared>>) target_semaphore(%run_scoped3A : memref<!tpu.dma_semaphore, #tpu.memory_space<semaphore_mem>>)
      %dma_wait3A = arith.constant 0 : i32
      %dma_wait3A_32 = tpu.memref_slice %arg12[%add3A_12, %dma_wait3A] : memref<10240x128xf32, #tpu.memory_space<vmem_shared>> -> memref<128x128xf32, #tpu.memory_space<vmem_shared>>
      %dma_wait3A_33 = arith.constant 0 : i32
      %dma_wait3A_34 = tpu.memref_slice %arg12[%add3A_12, %dma_wait3A_33] : memref<10240x128xf32, #tpu.memory_space<vmem_shared>> -> memref<128x128xf32, #tpu.memory_space<vmem_shared>>
      tpu.wait_dma2 semaphore(%run_scoped3A : memref<!tpu.dma_semaphore, #tpu.memory_space<semaphore_mem>>) src(%arg10 : memref<128x128xf32, #tpu.memory_space<vmem>>) dst(%dma_wait3A_34 : memref<128x128xf32, #tpu.memory_space<vmem_shared>>)
      tpu.yield
    }) : () -> ()
    %add3A_13 = arith.constant 128 : i32
    %add3A_14 = arith.addi %mul3A_2, %add3A_13 : i32
    "tpu.region"() ({
      %run_scoped3A = tpu.sem_alloc : memref<!tpu.dma_semaphore, #tpu.memory_space<semaphore_mem>>
      %dma_start3A = arith.constant 0 : i32
      %dma_start3A_29 = tpu.memref_slice %arg12[%add3A_14, %dma_start3A] : memref<10240x128xf32, #tpu.memory_space<vmem_shared>> -> memref<128x128xf32, #tpu.memory_space<vmem_shared>>
      %dma_start3A_30 = arith.constant 0 : i32
      %dma_start3A_31 = tpu.memref_slice %arg12[%add3A_14, %dma_start3A_30] : memref<10240x128xf32, #tpu.memory_space<vmem_shared>> -> memref<128x128xf32, #tpu.memory_space<vmem_shared>>
      tpu.enqueue_dma source(%arg10 : memref<128x128xf32, #tpu.memory_space<vmem>>) target(%dma_start3A_31 : memref<128x128xf32, #tpu.memory_space<vmem_shared>>) target_semaphore(%run_scoped3A : memref<!tpu.dma_semaphore, #tpu.memory_space<semaphore_mem>>)
      %dma_wait3A = arith.constant 0 : i32
      %dma_wait3A_32 = tpu.memref_slice %arg12[%add3A_14, %dma_wait3A] : memref<10240x128xf32, #tpu.memory_space<vmem_shared>> -> memref<128x128xf32, #tpu.memory_space<vmem_shared>>
      %dma_wait3A_33 = arith.constant 0 : i32
      %dma_wait3A_34 = tpu.memref_slice %arg12[%add3A_14, %dma_wait3A_33] : memref<10240x128xf32, #tpu.memory_space<vmem_shared>> -> memref<128x128xf32, #tpu.memory_space<vmem_shared>>
      tpu.wait_dma2 semaphore(%run_scoped3A : memref<!tpu.dma_semaphore, #tpu.memory_space<semaphore_mem>>) src(%arg10 : memref<128x128xf32, #tpu.memory_space<vmem>>) dst(%dma_wait3A_34 : memref<128x128xf32, #tpu.memory_space<vmem_shared>>)
      tpu.yield
    }) : () -> ()
    %add3A_15 = arith.constant 256 : i32
    %add3A_16 = arith.addi %mul3A_2, %add3A_15 : i32
    "tpu.region"() ({
      %run_scoped3A = tpu.sem_alloc : memref<!tpu.dma_semaphore, #tpu.memory_space<semaphore_mem>>
      %dma_start3A = arith.constant 0 : i32
      %dma_start3A_29 = tpu.memref_slice %arg12[%add3A_16, %dma_start3A] : memref<10240x128xf32, #tpu.memory_space<vmem_shared>> -> memref<128x128xf32, #tpu.memory_space<vmem_shared>>
      %dma_start3A_30 = arith.constant 0 : i32
      %dma_start3A_31 = tpu.memref_slice %arg12[%add3A_16, %dma_start3A_30] : memref<10240x128xf32, #tpu.memory_space<vmem_shared>> -> memref<128x128xf32, #tpu.memory_space<vmem_shared>>
      tpu.enqueue_dma source(%arg10 : memref<128x128xf32, #tpu.memory_space<vmem>>) target(%dma_start3A_31 : memref<128x128xf32, #tpu.memory_space<vmem_shared>>) target_semaphore(%run_scoped3A : memref<!tpu.dma_semaphore, #tpu.memory_space<semaphore_mem>>)
      %dma_wait3A = arith.constant 0 : i32
      %dma_wait3A_32 = tpu.memref_slice %arg12[%add3A_16, %dma_wait3A] : memref<10240x128xf32, #tpu.memory_space<vmem_shared>> -> memref<128x128xf32, #tpu.memory_space<vmem_shared>>
      %dma_wait3A_33 = arith.constant 0 : i32
      %dma_wait3A_34 = tpu.memref_slice %arg12[%add3A_16, %dma_wait3A_33] : memref<10240x128xf32, #tpu.memory_space<vmem_shared>> -> memref<128x128xf32, #tpu.memory_space<vmem_shared>>
      tpu.wait_dma2 semaphore(%run_scoped3A : memref<!tpu.dma_semaphore, #tpu.memory_space<semaphore_mem>>) src(%arg10 : memref<128x128xf32, #tpu.memory_space<vmem>>) dst(%dma_wait3A_34 : memref<128x128xf32, #tpu.memory_space<vmem_shared>>)
      tpu.yield
    }) : () -> ()
    %add3A_17 = arith.constant 384 : i32
    %add3A_18 = arith.addi %mul3A_2, %add3A_17 : i32
    "tpu.region"() ({
      %run_scoped3A = tpu.sem_alloc : memref<!tpu.dma_semaphore, #tpu.memory_space<semaphore_mem>>
      %dma_start3A = arith.constant 0 : i32
      %dma_start3A_29 = tpu.memref_slice %arg12[%add3A_18, %dma_start3A] : memref<10240x128xf32, #tpu.memory_space<vmem_shared>> -> memref<128x128xf32, #tpu.memory_space<vmem_shared>>
      %dma_start3A_30 = arith.constant 0 : i32
      %dma_start3A_31 = tpu.memref_slice %arg12[%add3A_18, %dma_start3A_30] : memref<10240x128xf32, #tpu.memory_space<vmem_shared>> -> memref<128x128xf32, #tpu.memory_space<vmem_shared>>
      tpu.enqueue_dma source(%arg10 : memref<128x128xf32, #tpu.memory_space<vmem>>) target(%dma_start3A_31 : memref<128x128xf32, #tpu.memory_space<vmem_shared>>) target_semaphore(%run_scoped3A : memref<!tpu.dma_semaphore, #tpu.memory_space<semaphore_mem>>)
      %dma_wait3A = arith.constant 0 : i32
      %dma_wait3A_32 = tpu.memref_slice %arg12[%add3A_18, %dma_wait3A] : memref<10240x128xf32, #tpu.memory_space<vmem_shared>> -> memref<128x128xf32, #tpu.memory_space<vmem_shared>>
      %dma_wait3A_33 = arith.constant 0 : i32
      %dma_wait3A_34 = tpu.memref_slice %arg12[%add3A_18, %dma_wait3A_33] : memref<10240x128xf32, #tpu.memory_space<vmem_shared>> -> memref<128x128xf32, #tpu.memory_space<vmem_shared>>
      tpu.wait_dma2 semaphore(%run_scoped3A : memref<!tpu.dma_semaphore, #tpu.memory_space<semaphore_mem>>) src(%arg10 : memref<128x128xf32, #tpu.memory_space<vmem>>) dst(%dma_wait3A_34 : memref<128x128xf32, #tpu.memory_space<vmem_shared>>)
      tpu.yield
    }) : () -> ()
    %add3A_19 = arith.constant 512 : i32
    %add3A_20 = arith.addi %mul3A_2, %add3A_19 : i32
    "tpu.region"() ({
      %run_scoped3A = tpu.sem_alloc : memref<!tpu.dma_semaphore, #tpu.memory_space<semaphore_mem>>
      %dma_start3A = arith.constant 0 : i32
      %dma_start3A_29 = tpu.memref_slice %arg12[%add3A_20, %dma_start3A] : memref<10240x128xf32, #tpu.memory_space<vmem_shared>> -> memref<128x128xf32, #tpu.memory_space<vmem_shared>>
      %dma_start3A_30 = arith.constant 0 : i32
      %dma_start3A_31 = tpu.memref_slice %arg12[%add3A_20, %dma_start3A_30] : memref<10240x128xf32, #tpu.memory_space<vmem_shared>> -> memref<128x128xf32, #tpu.memory_space<vmem_shared>>
      tpu.enqueue_dma source(%arg10 : memref<128x128xf32, #tpu.memory_space<vmem>>) target(%dma_start3A_31 : memref<128x128xf32, #tpu.memory_space<vmem_shared>>) target_semaphore(%run_scoped3A : memref<!tpu.dma_semaphore, #tpu.memory_space<semaphore_mem>>)
      %dma_wait3A = arith.constant 0 : i32
      %dma_wait3A_32 = tpu.memref_slice %arg12[%add3A_20, %dma_wait3A] : memref<10240x128xf32, #tpu.memory_space<vmem_shared>> -> memref<128x128xf32, #tpu.memory_space<vmem_shared>>
      %dma_wait3A_33 = arith.constant 0 : i32
      %dma_wait3A_34 = tpu.memref_slice %arg12[%add3A_20, %dma_wait3A_33] : memref<10240x128xf32, #tpu.memory_space<vmem_shared>> -> memref<128x128xf32, #tpu.memory_space<vmem_shared>>
      tpu.wait_dma2 semaphore(%run_scoped3A : memref<!tpu.dma_semaphore, #tpu.memory_space<semaphore_mem>>) src(%arg10 : memref<128x128xf32, #tpu.memory_space<vmem>>) dst(%dma_wait3A_34 : memref<128x128xf32, #tpu.memory_space<vmem_shared>>)
      tpu.yield
    }) : () -> ()
    "tpu.region"() ({
      %run_scoped3A = tpu.sem_alloc : memref<!tpu.dma_semaphore, #tpu.memory_space<semaphore_mem>>
      %dma_start3A = tpu.memref_slice %arg3[%mul3A_4] : memref<327680xi32, #tpu.memory_space<hbm>> -> memref<128xi32, #tpu.memory_space<hbm>>
      %dma_start3A_29 = tpu.memref_slice %arg3[%mul3A_4] : memref<327680xi32, #tpu.memory_space<hbm>> -> memref<128xi32, #tpu.memory_space<hbm>>
      tpu.enqueue_dma source(%dma_start3A_29 : memref<128xi32, #tpu.memory_space<hbm>>) target(%arg6 : memref<128xi32, #tpu.memory_space<vmem>>) target_semaphore(%run_scoped3A : memref<!tpu.dma_semaphore, #tpu.memory_space<semaphore_mem>>)
      %dma_wait3A = tpu.memref_slice %arg3[%mul3A_4] : memref<327680xi32, #tpu.memory_space<hbm>> -> memref<128xi32, #tpu.memory_space<hbm>>
      %dma_wait3A_30 = tpu.memref_slice %arg3[%mul3A_4] : memref<327680xi32, #tpu.memory_space<hbm>> -> memref<128xi32, #tpu.memory_space<hbm>>
      tpu.wait_dma2 semaphore(%run_scoped3A : memref<!tpu.dma_semaphore, #tpu.memory_space<semaphore_mem>>) src(%dma_wait3A_30 : memref<128xi32, #tpu.memory_space<hbm>>) dst(%arg6 : memref<128xi32, #tpu.memory_space<vmem>>)
      tpu.yield
    }) : () -> ()
    "tpu.region"() ({
      %run_scoped3A = tpu.sem_alloc : memref<!tpu.dma_semaphore, #tpu.memory_space<semaphore_mem>>
      %dma_start3A = tpu.memref_slice %arg4[%mul3A_4] : memref<327680xi32, #tpu.memory_space<hbm>> -> memref<128xi32, #tpu.memory_space<hbm>>
      %dma_start3A_29 = tpu.memref_slice %arg4[%mul3A_4] : memref<327680xi32, #tpu.memory_space<hbm>> -> memref<128xi32, #tpu.memory_space<hbm>>
      tpu.enqueue_dma source(%dma_start3A_29 : memref<128xi32, #tpu.memory_space<hbm>>) target(%arg8 : memref<128xi32, #tpu.memory_space<vmem>>) target_semaphore(%run_scoped3A : memref<!tpu.dma_semaphore, #tpu.memory_space<semaphore_mem>>)
      %dma_wait3A = tpu.memref_slice %arg4[%mul3A_4] : memref<327680xi32, #tpu.memory_space<hbm>> -> memref<128xi32, #tpu.memory_space<hbm>>
      %dma_wait3A_30 = tpu.memref_slice %arg4[%mul3A_4] : memref<327680xi32, #tpu.memory_space<hbm>> -> memref<128xi32, #tpu.memory_space<hbm>>
      tpu.wait_dma2 semaphore(%run_scoped3A : memref<!tpu.dma_semaphore, #tpu.memory_space<semaphore_mem>>) src(%dma_wait3A_30 : memref<128xi32, #tpu.memory_space<hbm>>) dst(%arg8 : memref<128xi32, #tpu.memory_space<vmem>>)
      tpu.yield
    }) : () -> ()
    %barrier3A = arith.constant 0 : index
    tpu.barrier barrier_id(%barrier3A)
    %scan3A_21 = arith.constant 0 : i32
    %scan3A_22 = arith.constant 0 : i32
    %scan3A_23 = arith.constant 40 : i32
    %scan3A_24 = arith.addi %scan3A_22, %scan3A_23 : i32
    %scan3A_25 = arith.constant 1 : i32
    %scan3A_26 = scf.for %scan3A_29 = %scan3A_22 to %scan3A_24 step %scan3A_25 iter_args(%scan3A_30 = %scan3A_21) -> (i32)  : i32 {
      %mul3A_31 = arith.constant 2 : i32
      %mul3A_32 = arith.muli %mul3A_31, %scan3A_29 : i32
      %dma_start3A = arith.constant 0 : i32
      %dma_start3A_33 = arith.constant 0 : i32
      %dma_start3A_34 = tpu.memref_slice %arg2[%dma_start3A, %dma_start3A_33] : memref<10000x128xf32, #tpu.memory_space<hbm>> -> memref<10000x128xf32, #tpu.memory_space<hbm>>
      tpu.enqueue_indirect_dma source(%dma_start3A_34 : memref<10000x128xf32, #tpu.memory_space<hbm>>) target(%arg10 : memref<128x128xf32, #tpu.memory_space<vmem>>) offsets(%arg6 : memref<128xi32, #tpu.memory_space<vmem>>) semaphore(%arg13 : memref<!tpu.dma_semaphore, #tpu.memory_space<semaphore_mem>>)
      %add3A_35 = arith.constant 1 : i32
      %add3A_36 = arith.addi %mul3A_32, %add3A_35 : i32
      %mul3A_37 = arith.constant 128 : i32
      %mul3A_38 = arith.muli %add3A_36, %mul3A_37 : i32
      %add3A_39 = arith.addi %mul3A_4, %mul3A_38 : i32
      %dma_start3A_40 = tpu.memref_slice %arg3[%add3A_39] : memref<327680xi32, #tpu.memory_space<hbm>> -> memref<128xi32, #tpu.memory_space<hbm>>
      %dma_start3A_41 = tpu.memref_slice %arg3[%add3A_39] : memref<327680xi32, #tpu.memory_space<hbm>> -> memref<128xi32, #tpu.memory_space<hbm>>
      tpu.enqueue_dma source(%dma_start3A_41 : memref<128xi32, #tpu.memory_space<hbm>>) target(%arg7 : memref<128xi32, #tpu.memory_space<vmem>>) target_semaphore(%arg14 : memref<!tpu.dma_semaphore, #tpu.memory_space<semaphore_mem>>)
      %dma_start3A_42 = tpu.memref_slice %arg4[%add3A_39] : memref<327680xi32, #tpu.memory_space<hbm>> -> memref<128xi32, #tpu.memory_space<hbm>>
      %dma_start3A_43 = tpu.memref_slice %arg4[%add3A_39] : memref<327680xi32, #tpu.memory_space<hbm>> -> memref<128xi32, #tpu.memory_space<hbm>>
      tpu.enqueue_dma source(%dma_start3A_43 : memref<128xi32, #tpu.memory_space<hbm>>) target(%arg9 : memref<128xi32, #tpu.memory_space<vmem>>) target_semaphore(%arg14 : memref<!tpu.dma_semaphore, #tpu.memory_space<semaphore_mem>>)
      %dma_wait3A = arith.constant 0 : i32
      %dma_wait3A_44 = arith.constant 0 : i32
      %dma_wait3A_45 = tpu.memref_slice %arg2[%dma_wait3A, %dma_wait3A_44] : memref<10000x128xf32, #tpu.memory_space<hbm>> -> memref<10000x128xf32, #tpu.memory_space<hbm>>
      tpu.wait_indirect_dma semaphore(%arg13 : memref<!tpu.dma_semaphore, #tpu.memory_space<semaphore_mem>>) src(%dma_wait3A_45 : memref<10000x128xf32, #tpu.memory_space<hbm>>) dst(%arg10 : memref<128x128xf32, #tpu.memory_space<vmem>>)
      %dma_wait3A_46 = tpu.memref_slice %arg3[%add3A_39] : memref<327680xi32, #tpu.memory_space<hbm>> -> memref<128xi32, #tpu.memory_space<hbm>>
      %dma_wait3A_47 = tpu.memref_slice %arg3[%add3A_39] : memref<327680xi32, #tpu.memory_space<hbm>> -> memref<128xi32, #tpu.memory_space<hbm>>
      tpu.wait_dma2 semaphore(%arg14 : memref<!tpu.dma_semaphore, #tpu.memory_space<semaphore_mem>>) src(%dma_wait3A_47 : memref<128xi32, #tpu.memory_space<hbm>>) dst(%arg7 : memref<128xi32, #tpu.memory_space<vmem>>)
      %dma_wait3A_48 = tpu.memref_slice %arg4[%add3A_39] : memref<327680xi32, #tpu.memory_space<hbm>> -> memref<128xi32, #tpu.memory_space<hbm>>
      %dma_wait3A_49 = tpu.memref_slice %arg4[%add3A_39] : memref<327680xi32, #tpu.memory_space<hbm>> -> memref<128xi32, #tpu.memory_space<hbm>>
      tpu.wait_dma2 semaphore(%arg14 : memref<!tpu.dma_semaphore, #tpu.memory_space<semaphore_mem>>) src(%dma_wait3A_49 : memref<128xi32, #tpu.memory_space<hbm>>) dst(%arg9 : memref<128xi32, #tpu.memory_space<vmem>>)
      %dma_start3A_50 = arith.constant 0 : i32
      %dma_start3A_51 = arith.constant 0 : i32
      %dma_start3A_52 = tpu.memref_slice %arg2[%dma_start3A_50, %dma_start3A_51] : memref<10000x128xf32, #tpu.memory_space<hbm>> -> memref<10000x128xf32, #tpu.memory_space<hbm>>
      tpu.enqueue_indirect_dma source(%dma_start3A_52 : memref<10000x128xf32, #tpu.memory_space<hbm>>) target(%arg11 : memref<128x128xf32, #tpu.memory_space<vmem>>) offsets(%arg7 : memref<128xi32, #tpu.memory_space<vmem>>) semaphore(%arg13 : memref<!tpu.dma_semaphore, #tpu.memory_space<semaphore_mem>>)
      "tpu.region"() ({
        %run_scoped3A = tpu.sem_alloc : memref<!tpu.dma_semaphore, #tpu.memory_space<semaphore_mem>>
        %dma_start3A_71 = arith.constant 0 : i32
        %dma_start3A_72 = arith.constant 0 : i32
        %dma_start3A_73 = tpu.memref_slice %arg12[%dma_start3A_71, %dma_start3A_72] : memref<10240x128xf32, #tpu.memory_space<vmem_shared>> -> memref<10240x128xf32, #tpu.memory_space<vmem_shared>>
        tpu.enqueue_indirect_dma source(%arg10 : memref<128x128xf32, #tpu.memory_space<vmem>>) target(%dma_start3A_73 : memref<10240x128xf32, #tpu.memory_space<vmem_shared>>) offsets(%arg8 : memref<128xi32, #tpu.memory_space<vmem>>) semaphore(%run_scoped3A : memref<!tpu.dma_semaphore, #tpu.memory_space<semaphore_mem>>) {add = true}
        %dma_wait3A_74 = arith.constant 0 : i32
        %dma_wait3A_75 = arith.constant 0 : i32
        %dma_wait3A_76 = tpu.memref_slice %arg12[%dma_wait3A_74, %dma_wait3A_75] : memref<10240x128xf32, #tpu.memory_space<vmem_shared>> -> memref<10240x128xf32, #tpu.memory_space<vmem_shared>>
        tpu.wait_indirect_dma semaphore(%run_scoped3A : memref<!tpu.dma_semaphore, #tpu.memory_space<semaphore_mem>>) src(%arg10 : memref<128x128xf32, #tpu.memory_space<vmem>>) dst(%dma_wait3A_76 : memref<10240x128xf32, #tpu.memory_space<vmem_shared>>)
        tpu.yield
      }) : () -> ()
      %add3A_53 = arith.constant 2 : i32
      %add3A_54 = arith.addi %mul3A_32, %add3A_53 : i32
      %mul3A_55 = arith.constant 128 : i32
      %mul3A_56 = arith.muli %add3A_54, %mul3A_55 : i32
      %add3A_57 = arith.addi %mul3A_4, %mul3A_56 : i32
      %min3A = arith.constant 327552 : i32
      %min3A_58 = arith.minsi %add3A_57, %min3A : i32
      %dma_start3A_59 = tpu.memref_slice %arg3[%min3A_58] : memref<327680xi32, #tpu.memory_space<hbm>> -> memref<128xi32, #tpu.memory_space<hbm>>
      %dma_start3A_60 = tpu.memref_slice %arg3[%min3A_58] : memref<327680xi32, #tpu.memory_space<hbm>> -> memref<128xi32, #tpu.memory_space<hbm>>
      tpu.enqueue_dma source(%dma_start3A_60 : memref<128xi32, #tpu.memory_space<hbm>>) target(%arg6 : memref<128xi32, #tpu.memory_space<vmem>>) target_semaphore(%arg14 : memref<!tpu.dma_semaphore, #tpu.memory_space<semaphore_mem>>)
      %dma_start3A_61 = tpu.memref_slice %arg4[%min3A_58] : memref<327680xi32, #tpu.memory_space<hbm>> -> memref<128xi32, #tpu.memory_space<hbm>>
      %dma_start3A_62 = tpu.memref_slice %arg4[%min3A_58] : memref<327680xi32, #tpu.memory_space<hbm>> -> memref<128xi32, #tpu.memory_space<hbm>>
      tpu.enqueue_dma source(%dma_start3A_62 : memref<128xi32, #tpu.memory_space<hbm>>) target(%arg8 : memref<128xi32, #tpu.memory_space<vmem>>) target_semaphore(%arg14 : memref<!tpu.dma_semaphore, #tpu.memory_space<semaphore_mem>>)
      %dma_wait3A_63 = arith.constant 0 : i32
      %dma_wait3A_64 = arith.constant 0 : i32
      %dma_wait3A_65 = tpu.memref_slice %arg2[%dma_wait3A_63, %dma_wait3A_64] : memref<10000x128xf32, #tpu.memory_space<hbm>> -> memref<10000x128xf32, #tpu.memory_space<hbm>>
      tpu.wait_indirect_dma semaphore(%arg13 : memref<!tpu.dma_semaphore, #tpu.memory_space<semaphore_mem>>) src(%dma_wait3A_65 : memref<10000x128xf32, #tpu.memory_space<hbm>>) dst(%arg11 : memref<128x128xf32, #tpu.memory_space<vmem>>)
      "tpu.region"() ({
        %run_scoped3A = tpu.sem_alloc : memref<!tpu.dma_semaphore, #tpu.memory_space<semaphore_mem>>
        %dma_start3A_71 = arith.constant 0 : i32
        %dma_start3A_72 = arith.constant 0 : i32
        %dma_start3A_73 = tpu.memref_slice %arg12[%dma_start3A_71, %dma_start3A_72] : memref<10240x128xf32, #tpu.memory_space<vmem_shared>> -> memref<10240x128xf32, #tpu.memory_space<vmem_shared>>
        tpu.enqueue_indirect_dma source(%arg11 : memref<128x128xf32, #tpu.memory_space<vmem>>) target(%dma_start3A_73 : memref<10240x128xf32, #tpu.memory_space<vmem_shared>>) offsets(%arg9 : memref<128xi32, #tpu.memory_space<vmem>>) semaphore(%run_scoped3A : memref<!tpu.dma_semaphore, #tpu.memory_space<semaphore_mem>>) {add = true}
        %dma_wait3A_74 = arith.constant 0 : i32
        %dma_wait3A_75 = arith.constant 0 : i32
        %dma_wait3A_76 = tpu.memref_slice %arg12[%dma_wait3A_74, %dma_wait3A_75] : memref<10240x128xf32, #tpu.memory_space<vmem_shared>> -> memref<10240x128xf32, #tpu.memory_space<vmem_shared>>
        tpu.wait_indirect_dma semaphore(%run_scoped3A : memref<!tpu.dma_semaphore, #tpu.memory_space<semaphore_mem>>) src(%arg11 : memref<128x128xf32, #tpu.memory_space<vmem>>) dst(%dma_wait3A_76 : memref<10240x128xf32, #tpu.memory_space<vmem_shared>>)
        tpu.yield
      }) : () -> ()
      %dma_wait3A_66 = tpu.memref_slice %arg3[%min3A_58] : memref<327680xi32, #tpu.memory_space<hbm>> -> memref<128xi32, #tpu.memory_space<hbm>>
      %dma_wait3A_67 = tpu.memref_slice %arg3[%min3A_58] : memref<327680xi32, #tpu.memory_space<hbm>> -> memref<128xi32, #tpu.memory_space<hbm>>
      tpu.wait_dma2 semaphore(%arg14 : memref<!tpu.dma_semaphore, #tpu.memory_space<semaphore_mem>>) src(%dma_wait3A_67 : memref<128xi32, #tpu.memory_space<hbm>>) dst(%arg6 : memref<128xi32, #tpu.memory_space<vmem>>)
      %dma_wait3A_68 = tpu.memref_slice %arg4[%min3A_58] : memref<327680xi32, #tpu.memory_space<hbm>> -> memref<128xi32, #tpu.memory_space<hbm>>
      %dma_wait3A_69 = tpu.memref_slice %arg4[%min3A_58] : memref<327680xi32, #tpu.memory_space<hbm>> -> memref<128xi32, #tpu.memory_space<hbm>>
      tpu.wait_dma2 semaphore(%arg14 : memref<!tpu.dma_semaphore, #tpu.memory_space<semaphore_mem>>) src(%dma_wait3A_69 : memref<128xi32, #tpu.memory_space<hbm>>) dst(%arg8 : memref<128xi32, #tpu.memory_space<vmem>>)
      %scan3A_70 = arith.constant 0 : i32
      scf.yield %scan3A_70 : i32
    }
    %scan3A_27 = arith.constant 40 : i32
    %barrier3A_28 = arith.constant 0 : index
    tpu.barrier barrier_id(%barrier3A_28)
    "tpu.region"() ({
      %run_scoped3A = tpu.sem_alloc : memref<!tpu.dma_semaphore, #tpu.memory_space<semaphore_mem>>
      %dma_start3A = arith.constant 0 : i32
      %dma_start3A_29 = tpu.memref_slice %arg5[%arg0, %mul3A_2, %dma_start3A] : memref<2x10240x128xf32, #tpu.memory_space<hbm>> -> memref<1x640x128xf32, #tpu.memory_space<hbm>>
      %dma_start3A_30 = tpu.memref_squeeze %dma_start3A_29 : memref<1x640x128xf32, #tpu.memory_space<hbm>> -> memref<640x128xf32, #tpu.memory_space<hbm>>
      %dma_start3A_31 = arith.constant 0 : i32
      %dma_start3A_32 = tpu.memref_slice %arg12[%mul3A_2, %dma_start3A_31] : memref<10240x128xf32, #tpu.memory_space<vmem_shared>> -> memref<640x128xf32, #tpu.memory_space<vmem_shared>>
      tpu.enqueue_dma source(%dma_start3A_32 : memref<640x128xf32, #tpu.memory_space<vmem_shared>>) target(%dma_start3A_30 : memref<640x128xf32, #tpu.memory_space<hbm>>) target_semaphore(%run_scoped3A : memref<!tpu.dma_semaphore, #tpu.memory_space<semaphore_mem>>)
      %dma_wait3A = arith.constant 0 : i32
      %dma_wait3A_33 = tpu.memref_slice %arg5[%arg0, %mul3A_2, %dma_wait3A] : memref<2x10240x128xf32, #tpu.memory_space<hbm>> -> memref<1x640x128xf32, #tpu.memory_space<hbm>>
      %dma_wait3A_34 = tpu.memref_squeeze %dma_wait3A_33 : memref<1x640x128xf32, #tpu.memory_space<hbm>> -> memref<640x128xf32, #tpu.memory_space<hbm>>
      %dma_wait3A_35 = arith.constant 0 : i32
      %dma_wait3A_36 = tpu.memref_slice %arg12[%mul3A_2, %dma_wait3A_35] : memref<10240x128xf32, #tpu.memory_space<vmem_shared>> -> memref<640x128xf32, #tpu.memory_space<vmem_shared>>
      tpu.wait_dma2 semaphore(%run_scoped3A : memref<!tpu.dma_semaphore, #tpu.memory_space<semaphore_mem>>) src(%dma_wait3A_36 : memref<640x128xf32, #tpu.memory_space<vmem_shared>>) dst(%dma_wait3A_34 : memref<640x128xf32, #tpu.memory_space<hbm>>)
      tpu.yield
    }) : () -> ()
    return
  }
}

#map = affine_map<(d0, d1) -> (0, 0)>
#map1 = affine_map<(d0, d1) -> (0)>
#map2 = affine_map<(d0, d1) -> (0, 0, 0)>
module attributes {stable_mosaic.version = 14 : i64} {
  func.func @_segsum_kernel(%arg0: i32, %arg1: i32, %arg2: memref<10000x128xf32, #tpu.memory_space<hbm>>, %arg3: memref<327680xi32, #tpu.memory_space<hbm>>, %arg4: memref<327680xi32, #tpu.memory_space<hbm>>, %arg5: memref<2x10240x128xf32, #tpu.memory_space<hbm>>, %arg6: memref<128xi32, #tpu.memory_space<vmem>>, %arg7: memref<128xi32, #tpu.memory_space<vmem>>, %arg8: memref<128xi32, #tpu.memory_space<vmem>>, %arg9: memref<128xi32, #tpu.memory_space<vmem>>, %arg10: memref<128x128xf32, #tpu.memory_space<vmem>>, %arg11: memref<128x128xf32, #tpu.memory_space<vmem>>, %arg12: memref<10240x128xf32, #tpu.memory_space<vmem_shared>>, %arg13: memref<!tpu.dma_semaphore, #tpu.memory_space<semaphore_mem>>, %arg14: memref<!tpu.dma_semaphore, #tpu.memory_space<semaphore_mem>>) attributes {dimension_semantics = [#tpu.dimension_semantics<core_parallel>, #tpu.dimension_semantics<subcore_parallel>], iteration_bounds = array<i64: 2, 16>, scalar_prefetch = 0 : i64, scratch_operands = 9 : i64, tpu.core_type = #tpu.core_type<sc_vector_subcore>, window_params = [{transform_indices = #map}, {transform_indices = #map1}, {transform_indices = #map1}, {transform_indices = #map2}]} {
    %mul3A = arith.constant 16 : i32
    %mul3A_0 = arith.muli %arg0, %mul3A : i32
    %add3A = arith.addi %mul3A_0, %arg1 : i32
    %mul3A_1 = arith.constant 640 : i32
    %mul3A_2 = arith.muli %arg1, %mul3A_1 : i32
    %mul3A_3 = arith.constant 10240 : i32
    %mul3A_4 = arith.muli %add3A, %mul3A_3 : i32
    %scan3A = arith.constant 0 : i32
    %scan3A_5 = arith.constant 0 : i32
    %scan3A_6 = arith.constant 1024 : i32
    %scan3A_7 = arith.addi %scan3A_5, %scan3A_6 : i32
    %scan3A_8 = arith.constant 1 : i32
    %scan3A_9 = scf.for %scan3A_29 = %scan3A_5 to %scan3A_7 step %scan3A_8 iter_args(%scan3A_30 = %scan3A) -> (i32)  : i32 {
      %jit3A = arith.constant 8 : i32
      %div3A = arith.divsi %scan3A_29, %jit3A : i32
      %sign3A = arith.constant 0 : i32
      %sign3A_31 = arith.cmpi sgt, %scan3A_29, %sign3A : i32
      %sign3A_32 = arith.extui %sign3A_31 : i1 to i32
      %sign3A_33 = arith.constant 0 : i32
      %sign3A_34 = arith.cmpi slt, %scan3A_29, %sign3A_33 : i32
      %sign3A_35 = arith.extui %sign3A_34 : i1 to i32
      %sign3A_36 = arith.subi %sign3A_32, %sign3A_35 : i32
      %sign3A_37 = arith.constant 0 : i32
      %sign3A_38 = arith.cmpi sgt, %jit3A, %sign3A_37 : i32
      %sign3A_39 = arith.extui %sign3A_38 : i1 to i32
      %sign3A_40 = arith.constant 0 : i32
      %sign3A_41 = arith.cmpi slt, %jit3A, %sign3A_40 : i32
      %sign3A_42 = arith.extui %sign3A_41 : i1 to i32
      %sign3A_43 = arith.subi %sign3A_39, %sign3A_42 : i32
      %ne3A = arith.cmpi ne, %sign3A_36, %sign3A_43 : i32
      %rem3A = arith.remsi %scan3A_29, %jit3A : i32
      %ne3A_44 = arith.constant 0 : i32
      %ne3A_45 = arith.cmpi ne, %rem3A, %ne3A_44 : i32
      %and3A = arith.andi %ne3A, %ne3A_45 : i1
      %sub3A = arith.constant 1 : i32
      %sub3A_46 = arith.subi %div3A, %sub3A : i32
      %select_n3A = arith.select %and3A, %sub3A_46, %div3A : i32
      %jit3A_47 = arith.constant 8 : i32
      %eq3A = arith.constant 0 : i32
      %eq3A_48 = arith.cmpi eq, %jit3A_47, %eq3A : i32
      %jit3A_49 = arith.constant 1 : i32
      %select_n3A_50 = arith.select %eq3A_48, %jit3A_49, %jit3A_47 : i32
      %rem3A_51 = arith.remsi %scan3A_29, %select_n3A_50 : i32
      %ne3A_52 = arith.constant 0 : i32
      %ne3A_53 = arith.cmpi ne, %rem3A_51, %ne3A_52 : i32
      %lt3A = arith.constant 0 : i32
      %lt3A_54 = arith.cmpi slt, %rem3A_51, %lt3A : i32
      %lt3A_55 = arith.constant 0 : i32
      %lt3A_56 = arith.cmpi slt, %select_n3A_50, %lt3A_55 : i32
      %ne3A_57 = arith.xori %lt3A_54, %lt3A_56 : i1
      %and3A_58 = arith.andi %ne3A_57, %ne3A_53 : i1
      %add3A_59 = arith.addi %rem3A_51, %select_n3A_50 : i32
      %select_n3A_60 = arith.select %and3A_58, %add3A_59, %rem3A_51 : i32
      %broadcast_in_dim3A = arith.constant 0.000000e+00 : f32
      %broadcast_in_dim3A_61 = vector.broadcast %broadcast_in_dim3A : f32 to vector<16xf32>
      %mul3A_62 = arith.constant 16 : i32
      %mul3A_63 = arith.muli %select_n3A_60, %mul3A_62 : i32
      %swap3A = arith.index_cast %select_n3A : i32 to index
      %swap3A_64 = arith.index_cast %mul3A_63 : i32 to index
      %swap3A_65 = tpu.vector_load %arg10[%swap3A, %swap3A_64] {strides = array<i32>} : memref<128x128xf32, #tpu.memory_space<vmem>>, vector<1x16xf32>,
      %swap3A_66 = vector.shape_cast %swap3A_65 : vector<1x16xf32> to vector<16xf32>
      %swap3A_67 = vector.shape_cast %broadcast_in_dim3A_61 : vector<16xf32> to vector<1x16xf32>
      tpu.vector_store %arg10[%swap3A, %swap3A_64], %swap3A_67 {strides = array<i32>} : memref<128x128xf32, #tpu.memory_space<vmem>>, vector<1x16xf32>,
      %scan3A_68 = arith.constant 0 : i32
      scf.yield %scan3A_68 : i32
    }
    %scan3A_10 = arith.constant 1024 : i32
    %add3A_11 = arith.constant 0 : i32
    %add3A_12 = arith.addi %mul3A_2, %add3A_11 : i32
    "tpu.region"() ({
      %run_scoped3A = tpu.sem_alloc : memref<!tpu.dma_semaphore, #tpu.memory_space<semaphore_mem>>
      %dma_start3A = arith.constant 0 : i32
      %dma_start3A_29 = tpu.memref_slice %arg12[%add3A_12, %dma_start3A] : memref<10240x128xf32, #tpu.memory_space<vmem_shared>> -> memref<128x128xf32, #tpu.memory_space<vmem_shared>>
      %dma_start3A_30 = arith.constant 0 : i32
      %dma_start3A_31 = tpu.memref_slice %arg12[%add3A_12, %dma_start3A_30] : memref<10240x128xf32, #tpu.memory_space<vmem_shared>> -> memref<128x128xf32, #tpu.memory_space<vmem_shared>>
      tpu.enqueue_dma source(%arg10 : memref<128x128xf32, #tpu.memory_space<vmem>>) target(%dma_start3A_31 : memref<128x128xf32, #tpu.memory_space<vmem_shared>>) target_semaphore(%run_scoped3A : memref<!tpu.dma_semaphore, #tpu.memory_space<semaphore_mem>>)
      %dma_wait3A = arith.constant 0 : i32
      %dma_wait3A_32 = tpu.memref_slice %arg12[%add3A_12, %dma_wait3A] : memref<10240x128xf32, #tpu.memory_space<vmem_shared>> -> memref<128x128xf32, #tpu.memory_space<vmem_shared>>
      %dma_wait3A_33 = arith.constant 0 : i32
      %dma_wait3A_34 = tpu.memref_slice %arg12[%add3A_12, %dma_wait3A_33] : memref<10240x128xf32, #tpu.memory_space<vmem_shared>> -> memref<128x128xf32, #tpu.memory_space<vmem_shared>>
      tpu.wait_dma2 semaphore(%run_scoped3A : memref<!tpu.dma_semaphore, #tpu.memory_space<semaphore_mem>>) src(%arg10 : memref<128x128xf32, #tpu.memory_space<vmem>>) dst(%dma_wait3A_34 : memref<128x128xf32, #tpu.memory_space<vmem_shared>>)
      tpu.yield
    }) : () -> ()
    %add3A_13 = arith.constant 128 : i32
    %add3A_14 = arith.addi %mul3A_2, %add3A_13 : i32
    "tpu.region"() ({
      %run_scoped3A = tpu.sem_alloc : memref<!tpu.dma_semaphore, #tpu.memory_space<semaphore_mem>>
      %dma_start3A = arith.constant 0 : i32
      %dma_start3A_29 = tpu.memref_slice %arg12[%add3A_14, %dma_start3A] : memref<10240x128xf32, #tpu.memory_space<vmem_shared>> -> memref<128x128xf32, #tpu.memory_space<vmem_shared>>
      %dma_start3A_30 = arith.constant 0 : i32
      %dma_start3A_31 = tpu.memref_slice %arg12[%add3A_14, %dma_start3A_30] : memref<10240x128xf32, #tpu.memory_space<vmem_shared>> -> memref<128x128xf32, #tpu.memory_space<vmem_shared>>
      tpu.enqueue_dma source(%arg10 : memref<128x128xf32, #tpu.memory_space<vmem>>) target(%dma_start3A_31 : memref<128x128xf32, #tpu.memory_space<vmem_shared>>) target_semaphore(%run_scoped3A : memref<!tpu.dma_semaphore, #tpu.memory_space<semaphore_mem>>)
      %dma_wait3A = arith.constant 0 : i32
      %dma_wait3A_32 = tpu.memref_slice %arg12[%add3A_14, %dma_wait3A] : memref<10240x128xf32, #tpu.memory_space<vmem_shared>> -> memref<128x128xf32, #tpu.memory_space<vmem_shared>>
      %dma_wait3A_33 = arith.constant 0 : i32
      %dma_wait3A_34 = tpu.memref_slice %arg12[%add3A_14, %dma_wait3A_33] : memref<10240x128xf32, #tpu.memory_space<vmem_shared>> -> memref<128x128xf32, #tpu.memory_space<vmem_shared>>
      tpu.wait_dma2 semaphore(%run_scoped3A : memref<!tpu.dma_semaphore, #tpu.memory_space<semaphore_mem>>) src(%arg10 : memref<128x128xf32, #tpu.memory_space<vmem>>) dst(%dma_wait3A_34 : memref<128x128xf32, #tpu.memory_space<vmem_shared>>)
      tpu.yield
    }) : () -> ()
    %add3A_15 = arith.constant 256 : i32
    %add3A_16 = arith.addi %mul3A_2, %add3A_15 : i32
    "tpu.region"() ({
      %run_scoped3A = tpu.sem_alloc : memref<!tpu.dma_semaphore, #tpu.memory_space<semaphore_mem>>
      %dma_start3A = arith.constant 0 : i32
      %dma_start3A_29 = tpu.memref_slice %arg12[%add3A_16, %dma_start3A] : memref<10240x128xf32, #tpu.memory_space<vmem_shared>> -> memref<128x128xf32, #tpu.memory_space<vmem_shared>>
      %dma_start3A_30 = arith.constant 0 : i32
      %dma_start3A_31 = tpu.memref_slice %arg12[%add3A_16, %dma_start3A_30] : memref<10240x128xf32, #tpu.memory_space<vmem_shared>> -> memref<128x128xf32, #tpu.memory_space<vmem_shared>>
      tpu.enqueue_dma source(%arg10 : memref<128x128xf32, #tpu.memory_space<vmem>>) target(%dma_start3A_31 : memref<128x128xf32, #tpu.memory_space<vmem_shared>>) target_semaphore(%run_scoped3A : memref<!tpu.dma_semaphore, #tpu.memory_space<semaphore_mem>>)
      %dma_wait3A = arith.constant 0 : i32
      %dma_wait3A_32 = tpu.memref_slice %arg12[%add3A_16, %dma_wait3A] : memref<10240x128xf32, #tpu.memory_space<vmem_shared>> -> memref<128x128xf32, #tpu.memory_space<vmem_shared>>
      %dma_wait3A_33 = arith.constant 0 : i32
      %dma_wait3A_34 = tpu.memref_slice %arg12[%add3A_16, %dma_wait3A_33] : memref<10240x128xf32, #tpu.memory_space<vmem_shared>> -> memref<128x128xf32, #tpu.memory_space<vmem_shared>>
      tpu.wait_dma2 semaphore(%run_scoped3A : memref<!tpu.dma_semaphore, #tpu.memory_space<semaphore_mem>>) src(%arg10 : memref<128x128xf32, #tpu.memory_space<vmem>>) dst(%dma_wait3A_34 : memref<128x128xf32, #tpu.memory_space<vmem_shared>>)
      tpu.yield
    }) : () -> ()
    %add3A_17 = arith.constant 384 : i32
    %add3A_18 = arith.addi %mul3A_2, %add3A_17 : i32
    "tpu.region"() ({
      %run_scoped3A = tpu.sem_alloc : memref<!tpu.dma_semaphore, #tpu.memory_space<semaphore_mem>>
      %dma_start3A = arith.constant 0 : i32
      %dma_start3A_29 = tpu.memref_slice %arg12[%add3A_18, %dma_start3A] : memref<10240x128xf32, #tpu.memory_space<vmem_shared>> -> memref<128x128xf32, #tpu.memory_space<vmem_shared>>
      %dma_start3A_30 = arith.constant 0 : i32
      %dma_start3A_31 = tpu.memref_slice %arg12[%add3A_18, %dma_start3A_30] : memref<10240x128xf32, #tpu.memory_space<vmem_shared>> -> memref<128x128xf32, #tpu.memory_space<vmem_shared>>
      tpu.enqueue_dma source(%arg10 : memref<128x128xf32, #tpu.memory_space<vmem>>) target(%dma_start3A_31 : memref<128x128xf32, #tpu.memory_space<vmem_shared>>) target_semaphore(%run_scoped3A : memref<!tpu.dma_semaphore, #tpu.memory_space<semaphore_mem>>)
      %dma_wait3A = arith.constant 0 : i32
      %dma_wait3A_32 = tpu.memref_slice %arg12[%add3A_18, %dma_wait3A] : memref<10240x128xf32, #tpu.memory_space<vmem_shared>> -> memref<128x128xf32, #tpu.memory_space<vmem_shared>>
      %dma_wait3A_33 = arith.constant 0 : i32
      %dma_wait3A_34 = tpu.memref_slice %arg12[%add3A_18, %dma_wait3A_33] : memref<10240x128xf32, #tpu.memory_space<vmem_shared>> -> memref<128x128xf32, #tpu.memory_space<vmem_shared>>
      tpu.wait_dma2 semaphore(%run_scoped3A : memref<!tpu.dma_semaphore, #tpu.memory_space<semaphore_mem>>) src(%arg10 : memref<128x128xf32, #tpu.memory_space<vmem>>) dst(%dma_wait3A_34 : memref<128x128xf32, #tpu.memory_space<vmem_shared>>)
      tpu.yield
    }) : () -> ()
    %add3A_19 = arith.constant 512 : i32
    %add3A_20 = arith.addi %mul3A_2, %add3A_19 : i32
    "tpu.region"() ({
      %run_scoped3A = tpu.sem_alloc : memref<!tpu.dma_semaphore, #tpu.memory_space<semaphore_mem>>
      %dma_start3A = arith.constant 0 : i32
      %dma_start3A_29 = tpu.memref_slice %arg12[%add3A_20, %dma_start3A] : memref<10240x128xf32, #tpu.memory_space<vmem_shared>> -> memref<128x128xf32, #tpu.memory_space<vmem_shared>>
      %dma_start3A_30 = arith.constant 0 : i32
      %dma_start3A_31 = tpu.memref_slice %arg12[%add3A_20, %dma_start3A_30] : memref<10240x128xf32, #tpu.memory_space<vmem_shared>> -> memref<128x128xf32, #tpu.memory_space<vmem_shared>>
      tpu.enqueue_dma source(%arg10 : memref<128x128xf32, #tpu.memory_space<vmem>>) target(%dma_start3A_31 : memref<128x128xf32, #tpu.memory_space<vmem_shared>>) target_semaphore(%run_scoped3A : memref<!tpu.dma_semaphore, #tpu.memory_space<semaphore_mem>>)
      %dma_wait3A = arith.constant 0 : i32
      %dma_wait3A_32 = tpu.memref_slice %arg12[%add3A_20, %dma_wait3A] : memref<10240x128xf32, #tpu.memory_space<vmem_shared>> -> memref<128x128xf32, #tpu.memory_space<vmem_shared>>
      %dma_wait3A_33 = arith.constant 0 : i32
      %dma_wait3A_34 = tpu.memref_slice %arg12[%add3A_20, %dma_wait3A_33] : memref<10240x128xf32, #tpu.memory_space<vmem_shared>> -> memref<128x128xf32, #tpu.memory_space<vmem_shared>>
      tpu.wait_dma2 semaphore(%run_scoped3A : memref<!tpu.dma_semaphore, #tpu.memory_space<semaphore_mem>>) src(%arg10 : memref<128x128xf32, #tpu.memory_space<vmem>>) dst(%dma_wait3A_34 : memref<128x128xf32, #tpu.memory_space<vmem_shared>>)
      tpu.yield
    }) : () -> ()
    "tpu.region"() ({
      %run_scoped3A = tpu.sem_alloc : memref<!tpu.dma_semaphore, #tpu.memory_space<semaphore_mem>>
      %dma_start3A = tpu.memref_slice %arg3[%mul3A_4] : memref<327680xi32, #tpu.memory_space<hbm>> -> memref<128xi32, #tpu.memory_space<hbm>>
      %dma_start3A_29 = tpu.memref_slice %arg3[%mul3A_4] : memref<327680xi32, #tpu.memory_space<hbm>> -> memref<128xi32, #tpu.memory_space<hbm>>
      tpu.enqueue_dma source(%dma_start3A_29 : memref<128xi32, #tpu.memory_space<hbm>>) target(%arg6 : memref<128xi32, #tpu.memory_space<vmem>>) target_semaphore(%run_scoped3A : memref<!tpu.dma_semaphore, #tpu.memory_space<semaphore_mem>>)
      %dma_wait3A = tpu.memref_slice %arg3[%mul3A_4] : memref<327680xi32, #tpu.memory_space<hbm>> -> memref<128xi32, #tpu.memory_space<hbm>>
      %dma_wait3A_30 = tpu.memref_slice %arg3[%mul3A_4] : memref<327680xi32, #tpu.memory_space<hbm>> -> memref<128xi32, #tpu.memory_space<hbm>>
      tpu.wait_dma2 semaphore(%run_scoped3A : memref<!tpu.dma_semaphore, #tpu.memory_space<semaphore_mem>>) src(%dma_wait3A_30 : memref<128xi32, #tpu.memory_space<hbm>>) dst(%arg6 : memref<128xi32, #tpu.memory_space<vmem>>)
      tpu.yield
    }) : () -> ()
    "tpu.region"() ({
      %run_scoped3A = tpu.sem_alloc : memref<!tpu.dma_semaphore, #tpu.memory_space<semaphore_mem>>
      %dma_start3A = tpu.memref_slice %arg4[%mul3A_4] : memref<327680xi32, #tpu.memory_space<hbm>> -> memref<128xi32, #tpu.memory_space<hbm>>
      %dma_start3A_29 = tpu.memref_slice %arg4[%mul3A_4] : memref<327680xi32, #tpu.memory_space<hbm>> -> memref<128xi32, #tpu.memory_space<hbm>>
      tpu.enqueue_dma source(%dma_start3A_29 : memref<128xi32, #tpu.memory_space<hbm>>) target(%arg8 : memref<128xi32, #tpu.memory_space<vmem>>) target_semaphore(%run_scoped3A : memref<!tpu.dma_semaphore, #tpu.memory_space<semaphore_mem>>)
      %dma_wait3A = tpu.memref_slice %arg4[%mul3A_4] : memref<327680xi32, #tpu.memory_space<hbm>> -> memref<128xi32, #tpu.memory_space<hbm>>
      %dma_wait3A_30 = tpu.memref_slice %arg4[%mul3A_4] : memref<327680xi32, #tpu.memory_space<hbm>> -> memref<128xi32, #tpu.memory_space<hbm>>
      tpu.wait_dma2 semaphore(%run_scoped3A : memref<!tpu.dma_semaphore, #tpu.memory_space<semaphore_mem>>) src(%dma_wait3A_30 : memref<128xi32, #tpu.memory_space<hbm>>) dst(%arg8 : memref<128xi32, #tpu.memory_space<vmem>>)
      tpu.yield
    }) : () -> ()
    %barrier3A = arith.constant 0 : index
    tpu.barrier barrier_id(%barrier3A)
    %scan3A_21 = arith.constant 0 : i32
    %scan3A_22 = arith.constant 0 : i32
    %scan3A_23 = arith.constant 40 : i32
    %scan3A_24 = arith.addi %scan3A_22, %scan3A_23 : i32
    %scan3A_25 = arith.constant 1 : i32
    %scan3A_26 = scf.for %scan3A_29 = %scan3A_22 to %scan3A_24 step %scan3A_25 iter_args(%scan3A_30 = %scan3A_21) -> (i32)  : i32 {
      %mul3A_31 = arith.constant 2 : i32
      %mul3A_32 = arith.muli %mul3A_31, %scan3A_29 : i32
      %dma_start3A = arith.constant 0 : i32
      %dma_start3A_33 = arith.constant 0 : i32
      %dma_start3A_34 = tpu.memref_slice %arg2[%dma_start3A, %dma_start3A_33] : memref<10000x128xf32, #tpu.memory_space<hbm>> -> memref<10000x128xf32, #tpu.memory_space<hbm>>
      tpu.enqueue_indirect_dma source(%dma_start3A_34 : memref<10000x128xf32, #tpu.memory_space<hbm>>) target(%arg10 : memref<128x128xf32, #tpu.memory_space<vmem>>) offsets(%arg6 : memref<128xi32, #tpu.memory_space<vmem>>) semaphore(%arg13 : memref<!tpu.dma_semaphore, #tpu.memory_space<semaphore_mem>>)
      %add3A_35 = arith.constant 1 : i32
      %add3A_36 = arith.addi %mul3A_32, %add3A_35 : i32
      %mul3A_37 = arith.constant 128 : i32
      %mul3A_38 = arith.muli %add3A_36, %mul3A_37 : i32
      %add3A_39 = arith.addi %mul3A_4, %mul3A_38 : i32
      %dma_start3A_40 = tpu.memref_slice %arg3[%add3A_39] : memref<327680xi32, #tpu.memory_space<hbm>> -> memref<128xi32, #tpu.memory_space<hbm>>
      %dma_start3A_41 = tpu.memref_slice %arg3[%add3A_39] : memref<327680xi32, #tpu.memory_space<hbm>> -> memref<128xi32, #tpu.memory_space<hbm>>
      tpu.enqueue_dma source(%dma_start3A_41 : memref<128xi32, #tpu.memory_space<hbm>>) target(%arg7 : memref<128xi32, #tpu.memory_space<vmem>>) target_semaphore(%arg14 : memref<!tpu.dma_semaphore, #tpu.memory_space<semaphore_mem>>)
      %dma_start3A_42 = tpu.memref_slice %arg4[%add3A_39] : memref<327680xi32, #tpu.memory_space<hbm>> -> memref<128xi32, #tpu.memory_space<hbm>>
      %dma_start3A_43 = tpu.memref_slice %arg4[%add3A_39] : memref<327680xi32, #tpu.memory_space<hbm>> -> memref<128xi32, #tpu.memory_space<hbm>>
      tpu.enqueue_dma source(%dma_start3A_43 : memref<128xi32, #tpu.memory_space<hbm>>) target(%arg9 : memref<128xi32, #tpu.memory_space<vmem>>) target_semaphore(%arg14 : memref<!tpu.dma_semaphore, #tpu.memory_space<semaphore_mem>>)
      %dma_wait3A = arith.constant 0 : i32
      %dma_wait3A_44 = arith.constant 0 : i32
      %dma_wait3A_45 = tpu.memref_slice %arg2[%dma_wait3A, %dma_wait3A_44] : memref<10000x128xf32, #tpu.memory_space<hbm>> -> memref<10000x128xf32, #tpu.memory_space<hbm>>
      tpu.wait_indirect_dma semaphore(%arg13 : memref<!tpu.dma_semaphore, #tpu.memory_space<semaphore_mem>>) src(%dma_wait3A_45 : memref<10000x128xf32, #tpu.memory_space<hbm>>) dst(%arg10 : memref<128x128xf32, #tpu.memory_space<vmem>>)
      %dma_wait3A_46 = tpu.memref_slice %arg3[%add3A_39] : memref<327680xi32, #tpu.memory_space<hbm>> -> memref<128xi32, #tpu.memory_space<hbm>>
      %dma_wait3A_47 = tpu.memref_slice %arg3[%add3A_39] : memref<327680xi32, #tpu.memory_space<hbm>> -> memref<128xi32, #tpu.memory_space<hbm>>
      tpu.wait_dma2 semaphore(%arg14 : memref<!tpu.dma_semaphore, #tpu.memory_space<semaphore_mem>>) src(%dma_wait3A_47 : memref<128xi32, #tpu.memory_space<hbm>>) dst(%arg7 : memref<128xi32, #tpu.memory_space<vmem>>)
      %dma_wait3A_48 = tpu.memref_slice %arg4[%add3A_39] : memref<327680xi32, #tpu.memory_space<hbm>> -> memref<128xi32, #tpu.memory_space<hbm>>
      %dma_wait3A_49 = tpu.memref_slice %arg4[%add3A_39] : memref<327680xi32, #tpu.memory_space<hbm>> -> memref<128xi32, #tpu.memory_space<hbm>>
      tpu.wait_dma2 semaphore(%arg14 : memref<!tpu.dma_semaphore, #tpu.memory_space<semaphore_mem>>) src(%dma_wait3A_49 : memref<128xi32, #tpu.memory_space<hbm>>) dst(%arg9 : memref<128xi32, #tpu.memory_space<vmem>>)
      %dma_start3A_50 = arith.constant 0 : i32
      %dma_start3A_51 = arith.constant 0 : i32
      %dma_start3A_52 = tpu.memref_slice %arg2[%dma_start3A_50, %dma_start3A_51] : memref<10000x128xf32, #tpu.memory_space<hbm>> -> memref<10000x128xf32, #tpu.memory_space<hbm>>
      tpu.enqueue_indirect_dma source(%dma_start3A_52 : memref<10000x128xf32, #tpu.memory_space<hbm>>) target(%arg11 : memref<128x128xf32, #tpu.memory_space<vmem>>) offsets(%arg7 : memref<128xi32, #tpu.memory_space<vmem>>) semaphore(%arg13 : memref<!tpu.dma_semaphore, #tpu.memory_space<semaphore_mem>>)
      "tpu.region"() ({
        %run_scoped3A = tpu.sem_alloc : memref<!tpu.dma_semaphore, #tpu.memory_space<semaphore_mem>>
        %dma_start3A_71 = arith.constant 0 : i32
        %dma_start3A_72 = arith.constant 0 : i32
        %dma_start3A_73 = tpu.memref_slice %arg12[%dma_start3A_71, %dma_start3A_72] : memref<10240x128xf32, #tpu.memory_space<vmem_shared>> -> memref<10240x128xf32, #tpu.memory_space<vmem_shared>>
        tpu.enqueue_indirect_dma source(%arg10 : memref<128x128xf32, #tpu.memory_space<vmem>>) target(%dma_start3A_73 : memref<10240x128xf32, #tpu.memory_space<vmem_shared>>) offsets(%arg8 : memref<128xi32, #tpu.memory_space<vmem>>) semaphore(%run_scoped3A : memref<!tpu.dma_semaphore, #tpu.memory_space<semaphore_mem>>) {add = true}
        %dma_wait3A_74 = arith.constant 0 : i32
        %dma_wait3A_75 = arith.constant 0 : i32
        %dma_wait3A_76 = tpu.memref_slice %arg12[%dma_wait3A_74, %dma_wait3A_75] : memref<10240x128xf32, #tpu.memory_space<vmem_shared>> -> memref<10240x128xf32, #tpu.memory_space<vmem_shared>>
        tpu.wait_indirect_dma semaphore(%run_scoped3A : memref<!tpu.dma_semaphore, #tpu.memory_space<semaphore_mem>>) src(%arg10 : memref<128x128xf32, #tpu.memory_space<vmem>>) dst(%dma_wait3A_76 : memref<10240x128xf32, #tpu.memory_space<vmem_shared>>)
        tpu.yield
      }) : () -> ()
      %add3A_53 = arith.constant 2 : i32
      %add3A_54 = arith.addi %mul3A_32, %add3A_53 : i32
      %mul3A_55 = arith.constant 128 : i32
      %mul3A_56 = arith.muli %add3A_54, %mul3A_55 : i32
      %add3A_57 = arith.addi %mul3A_4, %mul3A_56 : i32
      %min3A = arith.constant 327552 : i32
      %min3A_58 = arith.minsi %add3A_57, %min3A : i32
      %dma_start3A_59 = tpu.memref_slice %arg3[%min3A_58] : memref<327680xi32, #tpu.memory_space<hbm>> -> memref<128xi32, #tpu.memory_space<hbm>>
      %dma_start3A_60 = tpu.memref_slice %arg3[%min3A_58] : memref<327680xi32, #tpu.memory_space<hbm>> -> memref<128xi32, #tpu.memory_space<hbm>>
      tpu.enqueue_dma source(%dma_start3A_60 : memref<128xi32, #tpu.memory_space<hbm>>) target(%arg6 : memref<128xi32, #tpu.memory_space<vmem>>) target_semaphore(%arg14 : memref<!tpu.dma_semaphore, #tpu.memory_space<semaphore_mem>>)
      %dma_start3A_61 = tpu.memref_slice %arg4[%min3A_58] : memref<327680xi32, #tpu.memory_space<hbm>> -> memref<128xi32, #tpu.memory_space<hbm>>
      %dma_start3A_62 = tpu.memref_slice %arg4[%min3A_58] : memref<327680xi32, #tpu.memory_space<hbm>> -> memref<128xi32, #tpu.memory_space<hbm>>
      tpu.enqueue_dma source(%dma_start3A_62 : memref<128xi32, #tpu.memory_space<hbm>>) target(%arg8 : memref<128xi32, #tpu.memory_space<vmem>>) target_semaphore(%arg14 : memref<!tpu.dma_semaphore, #tpu.memory_space<semaphore_mem>>)
      %dma_wait3A_63 = arith.constant 0 : i32
      %dma_wait3A_64 = arith.constant 0 : i32
      %dma_wait3A_65 = tpu.memref_slice %arg2[%dma_wait3A_63, %dma_wait3A_64] : memref<10000x128xf32, #tpu.memory_space<hbm>> -> memref<10000x128xf32, #tpu.memory_space<hbm>>
      tpu.wait_indirect_dma semaphore(%arg13 : memref<!tpu.dma_semaphore, #tpu.memory_space<semaphore_mem>>) src(%dma_wait3A_65 : memref<10000x128xf32, #tpu.memory_space<hbm>>) dst(%arg11 : memref<128x128xf32, #tpu.memory_space<vmem>>)
      "tpu.region"() ({
        %run_scoped3A = tpu.sem_alloc : memref<!tpu.dma_semaphore, #tpu.memory_space<semaphore_mem>>
        %dma_start3A_71 = arith.constant 0 : i32
        %dma_start3A_72 = arith.constant 0 : i32
        %dma_start3A_73 = tpu.memref_slice %arg12[%dma_start3A_71, %dma_start3A_72] : memref<10240x128xf32, #tpu.memory_space<vmem_shared>> -> memref<10240x128xf32, #tpu.memory_space<vmem_shared>>
        tpu.enqueue_indirect_dma source(%arg11 : memref<128x128xf32, #tpu.memory_space<vmem>>) target(%dma_start3A_73 : memref<10240x128xf32, #tpu.memory_space<vmem_shared>>) offsets(%arg9 : memref<128xi32, #tpu.memory_space<vmem>>) semaphore(%run_scoped3A : memref<!tpu.dma_semaphore, #tpu.memory_space<semaphore_mem>>) {add = true}
        %dma_wait3A_74 = arith.constant 0 : i32
        %dma_wait3A_75 = arith.constant 0 : i32
        %dma_wait3A_76 = tpu.memref_slice %arg12[%dma_wait3A_74, %dma_wait3A_75] : memref<10240x128xf32, #tpu.memory_space<vmem_shared>> -> memref<10240x128xf32, #tpu.memory_space<vmem_shared>>
        tpu.wait_indirect_dma semaphore(%run_scoped3A : memref<!tpu.dma_semaphore, #tpu.memory_space<semaphore_mem>>) src(%arg11 : memref<128x128xf32, #tpu.memory_space<vmem>>) dst(%dma_wait3A_76 : memref<10240x128xf32, #tpu.memory_space<vmem_shared>>)
        tpu.yield
      }) : () -> ()
      %dma_wait3A_66 = tpu.memref_slice %arg3[%min3A_58] : memref<327680xi32, #tpu.memory_space<hbm>> -> memref<128xi32, #tpu.memory_space<hbm>>
      %dma_wait3A_67 = tpu.memref_slice %arg3[%min3A_58] : memref<327680xi32, #tpu.memory_space<hbm>> -> memref<128xi32, #tpu.memory_space<hbm>>
      tpu.wait_dma2 semaphore(%arg14 : memref<!tpu.dma_semaphore, #tpu.memory_space<semaphore_mem>>) src(%dma_wait3A_67 : memref<128xi32, #tpu.memory_space<hbm>>) dst(%arg6 : memref<128xi32, #tpu.memory_space<vmem>>)
      %dma_wait3A_68 = tpu.memref_slice %arg4[%min3A_58] : memref<327680xi32, #tpu.memory_space<hbm>> -> memref<128xi32, #tpu.memory_space<hbm>>
      %dma_wait3A_69 = tpu.memref_slice %arg4[%min3A_58] : memref<327680xi32, #tpu.memory_space<hbm>> -> memref<128xi32, #tpu.memory_space<hbm>>
      tpu.wait_dma2 semaphore(%arg14 : memref<!tpu.dma_semaphore, #tpu.memory_space<semaphore_mem>>) src(%dma_wait3A_69 : memref<128xi32, #tpu.memory_space<hbm>>) dst(%arg8 : memref<128xi32, #tpu.memory_space<vmem>>)
      %scan3A_70 = arith.constant 0 : i32
      scf.yield %scan3A_70 : i32
    }
    %scan3A_27 = arith.constant 40 : i32
    %barrier3A_28 = arith.constant 0 : index
    tpu.barrier barrier_id(%barrier3A_28)
    "tpu.region"() ({
      %run_scoped3A = tpu.sem_alloc : memref<!tpu.dma_semaphore, #tpu.memory_space<semaphore_mem>>
      %dma_start3A = arith.constant 0 : i32
      %dma_start3A_29 = tpu.memref_slice %arg5[%arg0, %mul3A_2, %dma_start3A] : memref<2x10240x128xf32, #tpu.memory_space<hbm>> -> memref<1x640x128xf32, #tpu.memory_space<hbm>>
      %dma_start3A_30 = tpu.memref_squeeze %dma_start3A_29 : memref<1x640x128xf32, #tpu.memory_space<hbm>> -> memref<640x128xf32, #tpu.memory_space<hbm>>
      %dma_start3A_31 = arith.constant 0 : i32
      %dma_start3A_32 = tpu.memref_slice %arg12[%mul3A_2, %dma_start3A_31] : memref<10240x128xf32, #tpu.memory_space<vmem_shared>> -> memref<640x128xf32, #tpu.memory_space<vmem_shared>>
      tpu.enqueue_dma source(%dma_start3A_32 : memref<640x128xf32, #tpu.memory_space<vmem_shared>>) target(%dma_start3A_30 : memref<640x128xf32, #tpu.memory_space<hbm>>) target_semaphore(%run_scoped3A : memref<!tpu.dma_semaphore, #tpu.memory_space<semaphore_mem>>)
      %dma_wait3A = arith.constant 0 : i32
      %dma_wait3A_33 = tpu.memref_slice %arg5[%arg0, %mul3A_2, %dma_wait3A] : memref<2x10240x128xf32, #tpu.memory_space<hbm>> -> memref<1x640x128xf32, #tpu.memory_space<hbm>>
      %dma_wait3A_34 = tpu.memref_squeeze %dma_wait3A_33 : memref<1x640x128xf32, #tpu.memory_space<hbm>> -> memref<640x128xf32, #tpu.memory_space<hbm>>
      %dma_wait3A_35 = arith.constant 0 : i32
      %dma_wait3A_36 = tpu.memref_slice %arg12[%mul3A_2, %dma_wait3A_35] : memref<10240x128xf32, #tpu.memory_space<vmem_shared>> -> memref<640x128xf32, #tpu.memory_space<vmem_shared>>
      tpu.wait_dma2 semaphore(%run_scoped3A : memref<!tpu.dma_semaphore, #tpu.memory_space<semaphore_mem>>) src(%dma_wait3A_36 : memref<640x128xf32, #tpu.memory_space<vmem_shared>>) dst(%dma_wait3A_34 : memref<640x128xf32, #tpu.memory_space<hbm>>)
      tpu.yield
    }) : () -> ()
    return
  }
}

module attributes {stable_mosaic.version = 14 : i64} {
  func.func @_norm_feat_body(%arg0: memref<10000x1xf32, #tpu.memory_space<vmem>>, %arg1: memref<10000x1xf32, #tpu.memory_space<vmem>>, %arg2: memref<10000x128xf32, #tpu.memory_space<vmem>>, %arg3: memref<10000x1xf32, #tpu.memory_space<vmem>>, %arg4: memref<10000x128xf32, #tpu.memory_space<vmem>>) attributes {dimension_semantics = [], scalar_prefetch = 0 : i64, scratch_operands = 0 : i64, tpu.core_type = #tpu.core_type<tc>} {
    %get3A = arith.constant 0 : index
    %get3A_0 = arith.constant 0 : index
    %get3A_1 = vector.load %arg0[%get3A, %get3A_0] : memref<10000x1xf32, #tpu.memory_space<vmem>>, vector<10000x1xf32>
    %get3A_2 = arith.constant 0 : index
    %get3A_3 = arith.constant 0 : index
    %get3A_4 = vector.load %arg1[%get3A_2, %get3A_3] : memref<10000x1xf32, #tpu.memory_space<vmem>>, vector<10000x1xf32>
    %add3A = arith.addf %get3A_1, %get3A_4 : vector<10000x1xf32>
    %max3A = arith.constant 1.000000e+00 : f32
    %max3A_5 = vector.broadcast %max3A : f32 to vector<10000x1xf32>
    %max3A_6 = arith.maximumf %add3A, %max3A_5 : vector<10000x1xf32>
    %rsqrt3A = math.rsqrt %max3A_6 : vector<10000x1xf32>
    %swap3A = arith.constant 0 : index
    %swap3A_7 = arith.constant 0 : index
    %swap3A_8 = vector.load %arg3[%swap3A, %swap3A_7] : memref<10000x1xf32, #tpu.memory_space<vmem>>, vector<10000x1xf32>
    tpu.vector_store %arg3[%swap3A, %swap3A_7], %rsqrt3A {strides = array<i32>} : memref<10000x1xf32, #tpu.memory_space<vmem>>, vector<10000x1xf32>,
    %get3A_9 = arith.constant 0 : index
    %get3A_10 = arith.constant 0 : index
    %get3A_11 = vector.load %arg2[%get3A_9, %get3A_10] : memref<10000x128xf32, #tpu.memory_space<vmem>>, vector<10000x128xf32>
    %mul3A = vector.broadcast %rsqrt3A : vector<10000x1xf32> to vector<10000x128xf32>
    %mul3A_12 = arith.mulf %get3A_11, %mul3A : vector<10000x128xf32>
    %swap3A_13 = arith.constant 0 : index
    %swap3A_14 = arith.constant 0 : index
    %swap3A_15 = vector.load %arg4[%swap3A_13, %swap3A_14] : memref<10000x128xf32, #tpu.memory_space<vmem>>, vector<10000x128xf32>
    tpu.vector_store %arg4[%swap3A_13, %swap3A_14], %mul3A_12 {strides = array<i32>} : memref<10000x128xf32, #tpu.memory_space<vmem>>, vector<10000x128xf32>,
    return
  }
}

module attributes {stable_mosaic.version = 14 : i64} {
  func.func @_rescale_body(%arg0: memref<10000x128xf32, #tpu.memory_space<vmem>>, %arg1: memref<10000x128xf32, #tpu.memory_space<vmem>>, %arg2: memref<10000x1xf32, #tpu.memory_space<vmem>>, %arg3: memref<10000x128xf32, #tpu.memory_space<vmem>>, %arg4: memref<10000x128xf32, #tpu.memory_space<vmem>>) attributes {dimension_semantics = [], scalar_prefetch = 0 : i64, scratch_operands = 0 : i64, tpu.core_type = #tpu.core_type<tc>} {
    %get3A = arith.constant 0 : index
    %get3A_0 = arith.constant 0 : index
    %get3A_1 = vector.load %arg2[%get3A, %get3A_0] : memref<10000x1xf32, #tpu.memory_space<vmem>>, vector<10000x1xf32>
    %get3A_2 = arith.constant 0 : index
    %get3A_3 = arith.constant 0 : index
    %get3A_4 = vector.load %arg0[%get3A_2, %get3A_3] : memref<10000x128xf32, #tpu.memory_space<vmem>>, vector<10000x128xf32>
    %get3A_5 = arith.constant 0 : index
    %get3A_6 = arith.constant 0 : index
    %get3A_7 = vector.load %arg1[%get3A_5, %get3A_6] : memref<10000x128xf32, #tpu.memory_space<vmem>>, vector<10000x128xf32>
    %add3A = arith.addf %get3A_4, %get3A_7 : vector<10000x128xf32>
    %mul3A = vector.broadcast %get3A_1 : vector<10000x1xf32> to vector<10000x128xf32>
    %mul3A_8 = arith.mulf %add3A, %mul3A : vector<10000x128xf32>
    %swap3A = arith.constant 0 : index
    %swap3A_9 = arith.constant 0 : index
    %swap3A_10 = vector.load %arg3[%swap3A, %swap3A_9] : memref<10000x128xf32, #tpu.memory_space<vmem>>, vector<10000x128xf32>
    tpu.vector_store %arg3[%swap3A, %swap3A_9], %mul3A_8 {strides = array<i32>} : memref<10000x128xf32, #tpu.memory_space<vmem>>, vector<10000x128xf32>,
    %mul3A_11 = vector.broadcast %get3A_1 : vector<10000x1xf32> to vector<10000x128xf32>
    %mul3A_12 = arith.mulf %mul3A_8, %mul3A_11 : vector<10000x128xf32>
    %swap3A_13 = arith.constant 0 : index
    %swap3A_14 = arith.constant 0 : index
    %swap3A_15 = vector.load %arg4[%swap3A_13, %swap3A_14] : memref<10000x128xf32, #tpu.memory_space<vmem>>, vector<10000x128xf32>
    tpu.vector_store %arg4[%swap3A_13, %swap3A_14], %mul3A_12 {strides = array<i32>} : memref<10000x128xf32, #tpu.memory_space<vmem>>, vector<10000x128xf32>,
    return
  }
}

module attributes {stable_mosaic.version = 14 : i64} {
  func.func @_epilogue_body(%arg0: memref<10000x128xf32, #tpu.memory_space<vmem>>, %arg1: memref<10000x128xf32, #tpu.memory_space<vmem>>, %arg2: memref<10000x1xf32, #tpu.memory_space<vmem>>, %arg3: memref<10000x128xf32, #tpu.memory_space<vmem>>, %arg4: memref<10000x128xf32, #tpu.memory_space<vmem>>, %arg5: memref<128x128xf32, #tpu.memory_space<vmem>>, %arg6: memref<128x128xf32, #tpu.memory_space<vmem>>, %arg7: memref<128x128xf32, #tpu.memory_space<vmem>>, %arg8: memref<1x8xf32, #tpu.memory_space<vmem>>, %arg9: memref<1x8xf32, #tpu.memory_space<vmem>>, %arg10: memref<1x8xf32, #tpu.memory_space<vmem>>, %arg11: memref<1x128xf32, #tpu.memory_space<vmem>>, %arg12: memref<10000x1xf32, #tpu.memory_space<vmem>>, %arg13: memref<10000x128xf32, #tpu.memory_space<vmem>>) attributes {dimension_semantics = [], scalar_prefetch = 0 : i64, scratch_operands = 0 : i64, tpu.core_type = #tpu.core_type<tc>} {
    %iota3A = tpu.iota {dimensions = array<i32: 1>} : vector<1x8xi32>
    %convert_element_type3A = arith.sitofp %iota3A : vector<1x8xi32> to vector<1x8xf32>
    %mul3A = arith.constant 0.142857149 : f32
    %mul3A_0 = vector.broadcast %mul3A : f32 to vector<1x8xf32>
    %mul3A_1 = arith.mulf %convert_element_type3A, %mul3A_0 : vector<1x8xf32>
    %sub3A = arith.constant 9.99999971E-10 : f32
    %sub3A_2 = vector.broadcast %sub3A : f32 to vector<1x8xf32>
    %sub3A_3 = arith.subf %mul3A_1, %sub3A_2 : vector<1x8xf32>
    %get3A = arith.constant 0 : index
    %get3A_4 = arith.constant 0 : index
    %get3A_5 = vector.load %arg8[%get3A, %get3A_4] : memref<1x8xf32, #tpu.memory_space<vmem>>, vector<1x8xf32>
    %max3A = arith.constant 0.000000e+00 : f32
    %max3A_6 = vector.broadcast %max3A : f32 to vector<1x8xf32>
    %max3A_7 = arith.maximumf %get3A_5, %max3A_6 : vector<1x8xf32>
    %get3A_8 = arith.constant 0 : index
    %get3A_9 = arith.constant 0 : index
    %get3A_10 = vector.load %arg9[%get3A_8, %get3A_9] : memref<1x8xf32, #tpu.memory_space<vmem>>, vector<1x8xf32>
    %max3A_11 = arith.constant 0.000000e+00 : f32
    %max3A_12 = vector.broadcast %max3A_11 : f32 to vector<1x8xf32>
    %max3A_13 = arith.maximumf %get3A_10, %max3A_12 : vector<1x8xf32>
    %get3A_14 = arith.constant 0 : index
    %get3A_15 = arith.constant 0 : index
    %get3A_16 = vector.load %arg10[%get3A_14, %get3A_15] : memref<1x8xf32, #tpu.memory_space<vmem>>, vector<1x8xf32>
    %max3A_17 = arith.constant 0.000000e+00 : f32
    %max3A_18 = vector.broadcast %max3A_17 : f32 to vector<1x8xf32>
    %max3A_19 = arith.maximumf %get3A_16, %max3A_18 : vector<1x8xf32>
    %mul3A_20 = arith.mulf %sub3A_3, %max3A_7 : vector<1x8xf32>
    %reduce_sum3A = vector.shape_cast %mul3A_20 : vector<1x8xf32> to vector<1x1x8xf32>
    %reduce_sum3A_21 = arith.constant dense<0.000000e+00> : vector<1xf32>
    %reduce_sum3A_22 = vector.multi_reduction <add>, %reduce_sum3A, %reduce_sum3A_21 [1, 2] : vector<1x1x8xf32> to vector<1xf32>
    %reduce_sum3A_23 = vector.shape_cast %reduce_sum3A_22 : vector<1xf32> to vector<1x1x1xf32>
    %reduce_sum3A_24 = vector.extract %reduce_sum3A_23[0, 0, 0] : f32 from vector<1x1x1xf32>
    %sub3A_25 = arith.constant 1.000000e+00 : f32
    %sub3A_26 = vector.broadcast %sub3A_25 : f32 to vector<1x8xf32>
    %sub3A_27 = arith.subf %sub3A_26, %sub3A_3 : vector<1x8xf32>
    %mul3A_28 = arith.mulf %sub3A_27, %max3A_7 : vector<1x8xf32>
    %reduce_sum3A_29 = vector.shape_cast %mul3A_28 : vector<1x8xf32> to vector<1x1x8xf32>
    %reduce_sum3A_30 = arith.constant dense<0.000000e+00> : vector<1xf32>
    %reduce_sum3A_31 = vector.multi_reduction <add>, %reduce_sum3A_29, %reduce_sum3A_30 [1, 2] : vector<1x1x8xf32> to vector<1xf32>
    %reduce_sum3A_32 = vector.shape_cast %reduce_sum3A_31 : vector<1xf32> to vector<1x1x1xf32>
    %reduce_sum3A_33 = vector.extract %reduce_sum3A_32[0, 0, 0] : f32 from vector<1x1x1xf32>
    %neg3A = arith.constant 0.000000e+00 : f32
    %neg3A_34 = vector.broadcast %neg3A : f32 to vector<1x8xf32>
    %neg3A_35 = arith.subf %neg3A_34, %sub3A_3 : vector<1x8xf32>
    %mul3A_36 = arith.mulf %neg3A_35, %max3A_19 : vector<1x8xf32>
    %reduce_sum3A_37 = vector.shape_cast %mul3A_36 : vector<1x8xf32> to vector<1x1x8xf32>
    %reduce_sum3A_38 = arith.constant dense<0.000000e+00> : vector<1xf32>
    %reduce_sum3A_39 = vector.multi_reduction <add>, %reduce_sum3A_37, %reduce_sum3A_38 [1, 2] : vector<1x1x8xf32> to vector<1xf32>
    %reduce_sum3A_40 = vector.shape_cast %reduce_sum3A_39 : vector<1xf32> to vector<1x1x1xf32>
    %reduce_sum3A_41 = vector.extract %reduce_sum3A_40[0, 0, 0] : f32 from vector<1x1x1xf32>
    %sub3A_42 = arith.constant 1.000000e+00 : f32
    %sub3A_43 = vector.broadcast %sub3A_42 : f32 to vector<1x8xf32>
    %sub3A_44 = arith.subf %sub3A_43, %sub3A_3 : vector<1x8xf32>
    %mul3A_45 = arith.mulf %sub3A_44, %max3A_19 : vector<1x8xf32>
    %reduce_sum3A_46 = vector.shape_cast %mul3A_45 : vector<1x8xf32> to vector<1x1x8xf32>
    %reduce_sum3A_47 = arith.constant dense<0.000000e+00> : vector<1xf32>
    %reduce_sum3A_48 = vector.multi_reduction <add>, %reduce_sum3A_46, %reduce_sum3A_47 [1, 2] : vector<1x1x8xf32> to vector<1xf32>
    %reduce_sum3A_49 = vector.shape_cast %reduce_sum3A_48 : vector<1xf32> to vector<1x1x1xf32>
    %reduce_sum3A_50 = vector.extract %reduce_sum3A_49[0, 0, 0] : f32 from vector<1x1x1xf32>
    %reduce_sum3A_51 = vector.shape_cast %max3A_13 : vector<1x8xf32> to vector<1x1x8xf32>
    %reduce_sum3A_52 = arith.constant dense<0.000000e+00> : vector<1xf32>
    %reduce_sum3A_53 = vector.multi_reduction <add>, %reduce_sum3A_51, %reduce_sum3A_52 [1, 2] : vector<1x1x8xf32> to vector<1xf32>
    %reduce_sum3A_54 = vector.shape_cast %reduce_sum3A_53 : vector<1xf32> to vector<1x1x1xf32>
    %reduce_sum3A_55 = vector.extract %reduce_sum3A_54[0, 0, 0] : f32 from vector<1x1x1xf32>
    %mul3A_56 = arith.mulf %sub3A_3, %max3A_13 : vector<1x8xf32>
    %reduce_sum3A_57 = vector.shape_cast %mul3A_56 : vector<1x8xf32> to vector<1x1x8xf32>
    %reduce_sum3A_58 = arith.constant dense<0.000000e+00> : vector<1xf32>
    %reduce_sum3A_59 = vector.multi_reduction <add>, %reduce_sum3A_57, %reduce_sum3A_58 [1, 2] : vector<1x1x8xf32> to vector<1xf32>
    %reduce_sum3A_60 = vector.shape_cast %reduce_sum3A_59 : vector<1xf32> to vector<1x1x1xf32>
    %reduce_sum3A_61 = vector.extract %reduce_sum3A_60[0, 0, 0] : f32 from vector<1x1x1xf32>
    %get3A_62 = arith.constant 0 : index
    %get3A_63 = arith.constant 0 : index
    %get3A_64 = vector.load %arg4[%get3A_62, %get3A_63] : memref<10000x128xf32, #tpu.memory_space<vmem>>, vector<10000x128xf32>
    %get3A_65 = arith.constant 0 : index
    %get3A_66 = arith.constant 0 : index
    %get3A_67 = vector.load %arg3[%get3A_65, %get3A_66] : memref<10000x128xf32, #tpu.memory_space<vmem>>, vector<10000x128xf32>
    %get3A_68 = arith.constant 0 : index
    %get3A_69 = arith.constant 0 : index
    %get3A_70 = vector.load %arg0[%get3A_68, %get3A_69] : memref<10000x128xf32, #tpu.memory_space<vmem>>, vector<10000x128xf32>
    %get3A_71 = arith.constant 0 : index
    %get3A_72 = arith.constant 0 : index
    %get3A_73 = vector.load %arg1[%get3A_71, %get3A_72] : memref<10000x128xf32, #tpu.memory_space<vmem>>, vector<10000x128xf32>
    %add3A = arith.addf %get3A_70, %get3A_73 : vector<10000x128xf32>
    %get3A_74 = arith.constant 0 : index
    %get3A_75 = arith.constant 0 : index
    %get3A_76 = vector.load %arg2[%get3A_74, %get3A_75] : memref<10000x1xf32, #tpu.memory_space<vmem>>, vector<10000x1xf32>
    %mul3A_77 = vector.broadcast %get3A_76 : vector<10000x1xf32> to vector<10000x128xf32>
    %mul3A_78 = arith.mulf %add3A, %mul3A_77 : vector<10000x128xf32>
    %mul3A_79 = vector.broadcast %reduce_sum3A_24 : f32 to vector<10000x128xf32>
    %mul3A_80 = arith.mulf %mul3A_79, %get3A_67 : vector<10000x128xf32>
    %mul3A_81 = vector.broadcast %reduce_sum3A_33 : f32 to vector<10000x128xf32>
    %mul3A_82 = arith.mulf %mul3A_81, %get3A_64 : vector<10000x128xf32>
    %add3A_83 = arith.addf %mul3A_80, %mul3A_82 : vector<10000x128xf32>
    %get3A_84 = arith.constant 0 : index
    %get3A_85 = arith.constant 0 : index
    %get3A_86 = vector.load %arg5[%get3A_84, %get3A_85] : memref<128x128xf32, #tpu.memory_space<vmem>>, vector<128x128xf32>
    %dot_general3A = arith.constant dense<0.000000e+00> : vector<10000x128xf32>
    %dot_general3A_87 = tpu.matmul %add3A_83, %get3A_86, %dot_general3A {dimension_numbers = #tpu.dot_dimension_numbers<[1], [1], [0], [0], [0, 0, 1, 0], [], []>, transpose_lhs_hint = false} : vector<10000x128xf32>, vector<128x128xf32>, vector<10000x128xf32> -> vector<10000x128xf32>
    %mul3A_88 = vector.broadcast %reduce_sum3A_41 : f32 to vector<10000x128xf32>
    %mul3A_89 = arith.mulf %mul3A_88, %get3A_67 : vector<10000x128xf32>
    %mul3A_90 = vector.broadcast %reduce_sum3A_50 : f32 to vector<10000x128xf32>
    %mul3A_91 = arith.mulf %mul3A_90, %get3A_64 : vector<10000x128xf32>
    %add3A_92 = arith.addf %mul3A_89, %mul3A_91 : vector<10000x128xf32>
    %get3A_93 = arith.constant 0 : index
    %get3A_94 = arith.constant 0 : index
    %get3A_95 = vector.load %arg7[%get3A_93, %get3A_94] : memref<128x128xf32, #tpu.memory_space<vmem>>, vector<128x128xf32>
    %dot_general3A_96 = arith.constant dense<0.000000e+00> : vector<10000x128xf32>
    %dot_general3A_97 = tpu.matmul %add3A_92, %get3A_95, %dot_general3A_96 {dimension_numbers = #tpu.dot_dimension_numbers<[1], [1], [0], [0], [0, 0, 1, 0], [], []>, transpose_lhs_hint = false} : vector<10000x128xf32>, vector<128x128xf32>, vector<10000x128xf32> -> vector<10000x128xf32>
    %mul3A_98 = vector.broadcast %reduce_sum3A_55 : f32 to vector<10000x128xf32>
    %mul3A_99 = arith.mulf %mul3A_98, %mul3A_78 : vector<10000x128xf32>
    %mul3A_100 = vector.broadcast %reduce_sum3A_61 : f32 to vector<10000x128xf32>
    %mul3A_101 = arith.mulf %mul3A_100, %get3A_64 : vector<10000x128xf32>
    %sub3A_102 = arith.subf %mul3A_99, %mul3A_101 : vector<10000x128xf32>
    %get3A_103 = arith.constant 0 : index
    %get3A_104 = arith.constant 0 : index
    %get3A_105 = vector.load %arg6[%get3A_103, %get3A_104] : memref<128x128xf32, #tpu.memory_space<vmem>>, vector<128x128xf32>
    %dot_general3A_106 = arith.constant dense<0.000000e+00> : vector<10000x128xf32>
    %dot_general3A_107 = tpu.matmul %sub3A_102, %get3A_105, %dot_general3A_106 {dimension_numbers = #tpu.dot_dimension_numbers<[1], [1], [0], [0], [0, 0, 1, 0], [], []>, transpose_lhs_hint = false} : vector<10000x128xf32>, vector<128x128xf32>, vector<10000x128xf32> -> vector<10000x128xf32>
    %add3A_108 = arith.addf %dot_general3A_97, %dot_general3A_107 : vector<10000x128xf32>
    %neg3A_109 = arith.constant 0.000000e+00 : f32
    %neg3A_110 = vector.broadcast %neg3A_109 : f32 to vector<10000x128xf32>
    %neg3A_111 = arith.subf %neg3A_110, %add3A_108 : vector<10000x128xf32>
    %exp3A = math.exp %neg3A_111 : vector<10000x128xf32>
    %add3A_112 = arith.constant 1.000000e+00 : f32
    %add3A_113 = vector.broadcast %add3A_112 : f32 to vector<10000x128xf32>
    %add3A_114 = arith.addf %add3A_113, %exp3A : vector<10000x128xf32>
    %div3A = arith.constant 1.000000e+00 : f32
    %div3A_115 = vector.broadcast %div3A : f32 to vector<10000x128xf32>
    %div3A_116 = arith.divf %div3A_115, %add3A_114 : vector<10000x128xf32>
    %mul3A_117 = arith.mulf %dot_general3A_87, %div3A_116 : vector<10000x128xf32>
    %add3A_118 = arith.addf %mul3A_117, %dot_general3A_97 : vector<10000x128xf32>
    %neg3A_119 = arith.constant 0.000000e+00 : f32
    %neg3A_120 = vector.broadcast %neg3A_119 : f32 to vector<10000x128xf32>
    %neg3A_121 = arith.subf %neg3A_120, %add3A_118 : vector<10000x128xf32>
    %exp3A_122 = math.exp %neg3A_121 : vector<10000x128xf32>
    %add3A_123 = arith.constant 1.000000e+00 : f32
    %add3A_124 = vector.broadcast %add3A_123 : f32 to vector<10000x128xf32>
    %add3A_125 = arith.addf %add3A_124, %exp3A_122 : vector<10000x128xf32>
    %div3A_126 = arith.constant 1.000000e+00 : f32
    %div3A_127 = vector.broadcast %div3A_126 : f32 to vector<10000x128xf32>
    %div3A_128 = arith.divf %div3A_127, %add3A_125 : vector<10000x128xf32>
    %mul3A_129 = arith.mulf %dot_general3A_107, %div3A_128 : vector<10000x128xf32>
    %add3A_130 = arith.addf %mul3A_129, %mul3A_117 : vector<10000x128xf32>
    %neg3A_131 = arith.constant 0.000000e+00 : f32
    %neg3A_132 = vector.broadcast %neg3A_131 : f32 to vector<10000x128xf32>
    %neg3A_133 = arith.subf %neg3A_132, %add3A_130 : vector<10000x128xf32>
    %exp3A_134 = math.exp %neg3A_133 : vector<10000x128xf32>
    %add3A_135 = arith.constant 1.000000e+00 : f32
    %add3A_136 = vector.broadcast %add3A_135 : f32 to vector<10000x128xf32>
    %add3A_137 = arith.addf %add3A_136, %exp3A_134 : vector<10000x128xf32>
    %div3A_138 = arith.constant 1.000000e+00 : f32
    %div3A_139 = vector.broadcast %div3A_138 : f32 to vector<10000x128xf32>
    %div3A_140 = arith.divf %div3A_139, %add3A_137 : vector<10000x128xf32>
    %mul3A_141 = arith.mulf %dot_general3A_97, %div3A_140 : vector<10000x128xf32>
    %add3A_142 = arith.addf %mul3A_117, %mul3A_129 : vector<10000x128xf32>
    %add3A_143 = arith.addf %add3A_142, %mul3A_141 : vector<10000x128xf32>
    %get3A_144 = arith.constant 0 : index
    %get3A_145 = arith.constant 0 : index
    %get3A_146 = vector.load %arg11[%get3A_144, %get3A_145] : memref<1x128xf32, #tpu.memory_space<vmem>>, vector<1x128xf32>
    %add3A_147 = vector.broadcast %get3A_146 : vector<1x128xf32> to vector<10000x128xf32>
    %add3A_148 = arith.addf %add3A_143, %add3A_147 : vector<10000x128xf32>
    %get3A_149 = arith.constant 0 : index
    %get3A_150 = arith.constant 0 : index
    %get3A_151 = vector.load %arg12[%get3A_149, %get3A_150] : memref<10000x1xf32, #tpu.memory_space<vmem>>, vector<10000x1xf32>
    %mul3A_152 = vector.broadcast %get3A_151 : vector<10000x1xf32> to vector<10000x128xf32>
    %mul3A_153 = arith.mulf %add3A_148, %mul3A_152 : vector<10000x128xf32>
    %add3A_154 = arith.addf %get3A_64, %mul3A_153 : vector<10000x128xf32>
    %swap3A = arith.constant 0 : index
    %swap3A_155 = arith.constant 0 : index
    %swap3A_156 = vector.load %arg13[%swap3A, %swap3A_155] : memref<10000x128xf32, #tpu.memory_space<vmem>>, vector<10000x128xf32>
    tpu.vector_store %arg13[%swap3A, %swap3A_155], %add3A_154 {strides = array<i32>} : memref<10000x128xf32, #tpu.memory_space<vmem>>, vector<10000x128xf32>,
    return
  }
}

</mosaic_0001>

<sc_bundles>
// kernel: kernel.11.cloned.1.call-start
scs
__scs_entry_jumppad:
0x0: {  	(pc) =	sbr.rel $0x88, $3  }
0x1: {  	(tag) =	ssettag $0x0;
	lr =	simm.s32 $0x1  }
0x2: {  	[smem:$0x3F97] =	sst lr;
	_ =	strace $0xD0000000  }
0x3: {  	_ = 	snop  }
0x4: {  	_ = 	snop  }
0x5: {  	_ = 	snop  }
0x6: {  	_ = 	snop  }
0x7: {  	_ = 	snop  }
__scs_overlays_trampoline_lowered:
0x8: {  	[smem:$0x3FA6] =	sst s0  }
0x9: {  	[smem:$0x3FA7] =	sst s1  }
0xa: {  	[smem:$0x3FA8] =	sst s2  }
0xb: {  	[smem:$0x3FA9] =	sst s3  }
0xc: {  	[smem:$0x3FAA] =	sst s4  }
0xd: {  	[smem:$0x3FAB] =	sst s5  }
0xe: {  	[smem:$0x3FAC] =	sst s6  }
0xf: {  	[smem:$0x3FAD] =	sst s7  }
0x10: {  	[smem:$0x3FAE] =	sst s8  }
0x11: {  	[smem:$0x3FAF] =	sst s9;
	s0 =	simm.s32 @!p0 $0x0  }
0x12: {  	s1 =	sld [smem:$0x3F95];
	s0 =	simm.s32 @p0 $0x1  }
0x13: {  	[smem:$0x3FB0] =	sst s0;
	s0 =	simm.s32 @!p1 $0x0  }
0x14: {  	s2 =	sld [smem:$0x3F94];
	s0 =	simm.s32 @p1 $0x1  }
0x15: {  	[smem:$0x3FB1] =	sst s0;
	s0 =	simm.s32 @!p2 $0x0  }
0x16: {  	s3 =	sld [smem:$0x3FDB];
	s0 =	simm.s32 @p2 $0x1  }
0x17: {  	s4 =	simm.s32 $0x1BF5;
	[smem:$0x3FB3] =	sst s0  }
0x18: {  	s0 =	sld [smem:$0x3F96];
	_ =	swait.ge [sflag:s4], $0x0  }
0x19: {  	s7 =	sld [smem:$0x3F97]  }
0x1a: {  	s8 =	sadd.s32 $0xFFFFE003, lr  }
0x1b: {  	s9 =	sadd.s32 $0xFFFFFEF7, lr;
	s5 =	simm.s32 $0xFFFFFFFF;
	p2 =	slt.u32 s8, $0xFFFFF086  }
0x1c: {  	p1 =	slt.u32 s9, $0xF7A;
	s5 =	simm.s32 @!p2 $0x0  }
0x1d: {  	s5 =	simm.s32 @p1 $0x1;
	p0 =	seq.s32 s7, s2  }
0x1e: {  	s7 =	smul.u32 @!p0 $0xF7A, s2;
	p2 =	seq.s32 @!p0 s5, $0x0  }
0x1f: {  	s9 =	smul.u32 $0xF7A, s1;
	s8 =	simm.s32 @!p0 $0x1BF5;
	p2 =	por !p2, p0  }
0x20: {  	[sflag:s8] =	ssyncset.s32 @!p0 $0xFFFFF086;
	s6 =	sadd.s32 @!p0 s3, s7;
	s7 =	simm.s32 @!p0 $0x108  }
0x21: {  	s3 =	sadd.s32 s3, s9;
	s6 =	sadd.s32 @!p0 $0x88, s6;
	s7 =	simm.s32 @p2 $0x1082  }
0x22: {  	[simem:s7], [sflag:s8] =	dma.local @!p0 [hbm:s6], $0xF7A  }
0x23: {  	s9 =	sor.u32 $0xD0000000, s2;
	s6 =	simm.s32 $0x108;
	_ =	swait.ge @!p0 [sflag:s8], $0x0  }
0x24: {  	s3 =	sadd.s32 $0x88, s3;
	s6 =	simm.s32 @!p1 $0x1082;
	[sflag:s4] =	ssyncset.s32 $0xFFFFF086  }
0x25: {  	[simem:s6], [sflag:s4] =	dma.local [hbm:s3], $0xF7A  }
0x26: {  	[smem:$0x3F97] =	sst s1;
	(tag) =	ssettag s2;
	_ =	strace s9  }
0x27: {  	s1 =	sld [smem:$0x3FA7]  }
0x28: {  	s2 =	sld [smem:$0x3FA8]  }
0x29: {  	s4 =	sld [smem:$0x3FAA]  }
0x2a: {  	p0 =	seq.s32 s5, $0x0;
	s5 =	sld [smem:$0x3FAB]  }
0x2b: {  	s6 =	sld [smem:$0x3FAC]  }
0x2c: {  	s7 =	sld [smem:$0x3FAD]  }
0x2d: {  	s3 =	simm.s32 $0x108;
	s8 =	sld [smem:$0x3FAE]  }
0x2e: {  	s3 =	simm.s32 @!p0 $0x1082;
	s9 =	sld [smem:$0x3FAF]  }
0x2f: {  	lr =	sadd.s32 s0, s3;
	s0 =	sld [smem:$0x3FA6]  }
0x30: {  	s3 =	sld [smem:$0x3FA9]  }
0x31: {  	[smem:$0x3FB2] =	sst s10  }
0x32: {  	s10 =	sld [smem:$0x3FB0];
	_ =	sdelay $0x3  }
0x33: {  	p0 =	seq.s32 s10, $0x1;
	s10 =	sld [smem:$0x3FB2];
	_ =	sdelay $0x3  }
0x34: {  	[smem:$0x3FB2] =	sst s10  }
0x35: {  	s10 =	sld [smem:$0x3FB1];
	_ =	sdelay $0x3  }
0x36: {  	p1 =	seq.s32 s10, $0x1;
	s10 =	sld [smem:$0x3FB2];
	_ =	sdelay $0x3  }
0x37: {  	[smem:$0x3FB2] =	sst s10  }
0x38: {  	s10 =	sld [smem:$0x3FB3]  }
0x39: {  	_ = 	snop;
	(pc) =	sbr.ind lr, $3  }
0x3a: {  	_ = 	snop  }
0x3b: {  	_ = 	snop  }
0x3c: {  	p2 =	seq.s32 s10, $0x1;
	s10 =	sld [smem:$0x3FB2]  }
0x3d: {  	_ =	shalt  }
0x3e: {  	_ =	shalt  }
0x3f: {  	_ =	shalt  }
0x40: {  	_ =	shalt  }
0x41: {  	_ =	shalt  }
0x42: {  	_ =	shalt  }
0x43: {  	_ =	shalt  }
0x44: {  	_ =	shalt  }
0x45: {  	_ =	shalt  }
0x46: {  	_ =	shalt  }
0x47: {  	_ =	shalt  }
0x48: {  	_ =	shalt  }
0x49: {  	_ =	shalt  }
0x4a: {  	_ =	shalt  }
0x4b: {  	_ =	shalt  }
0x4c: {  	_ =	shalt  }
0x4d: {  	_ =	shalt  }
0x4e: {  	_ =	shalt  }
0x4f: {  	_ =	shalt  }
0x50: {  	_ =	shalt  }
0x51: {  	_ =	shalt  }
0x52: {  	_ =	shalt  }
0x53: {  	_ =	shalt  }
0x54: {  	_ =	shalt  }
0x55: {  	_ =	shalt  }
0x56: {  	_ =	shalt  }
0x57: {  	_ =	shalt  }
0x58: {  	_ =	shalt  }
0x59: {  	_ =	shalt  }
0x5a: {  	_ =	shalt  }
0x5b: {  	_ =	shalt  }
0x5c: {  	_ =	shalt  }
0x5d: {  	_ =	shalt  }
0x5e: {  	_ =	shalt  }
0x5f: {  	_ =	shalt  }
0x60: {  	_ =	shalt  }
0x61: {  	_ =	shalt  }
0x62: {  	_ =	shalt  }
0x63: {  	_ =	shalt  }
0x64: {  	_ =	shalt  }
0x65: {  	_ =	shalt  }
0x66: {  	_ =	shalt  }
0x67: {  	_ =	shalt  }
0x68: {  	_ =	shalt  }
0x69: {  	_ =	shalt  }
0x6a: {  	_ =	shalt  }
0x6b: {  	_ =	shalt  }
0x6c: {  	_ =	shalt  }
0x6d: {  	_ =	shalt  }
0x6e: {  	_ =	shalt  }
0x6f: {  	_ =	shalt  }
0x70: {  	_ =	shalt  }
0x71: {  	_ =	shalt  }
0x72: {  	_ =	shalt  }
0x73: {  	_ =	shalt  }
0x74: {  	_ =	shalt  }
0x75: {  	_ =	shalt  }
0x76: {  	_ =	shalt  }
0x77: {  	_ =	shalt  }
0x78: {  	_ =	shalt  }
0x79: {  	_ =	shalt  }
0x7a: {  	_ =	shalt  }
0x7b: {  	_ =	shalt  }
0x7c: {  	_ =	shalt  }
0x7d: {  	_ =	shalt  }
0x7e: {  	_ =	shalt  }
0x7f: {  	_ =	shalt  }
0x80: {  	_ =	shalt  }
0x81: {  	_ =	shalt  }
0x82: {  	_ =	shalt  }
0x83: {  	_ =	shalt  }
0x84: {  	_ =	shalt  }
0x85: {  	_ =	shalt  }
0x86: {  	_ =	shalt  }
0x87: {  	_ =	shalt  }
.Lfunc_end0:
.L_simem_size_0:
called_computation.1_lowered:
.L_overlay_start_0:
0x88: {  	s2 =	sld [smem:$0x3FD9]  }
0x89: {  	s3 =	sld [smem:$0x3FFE];
	_ =	sdelay $0x1  }
0x8a: {  	s1 =	srdreg.scid  }
0x8b: {  	s0 =	sand.u32 $0x1, s1  }
0x8c: {  	s17 =	sshll.u32 s0, $0xA;
	s2 =	sadd.s32 s3, s2  }
0x8d: {  	s2 =	sadd.s32 s2, s17  }
0x8e: {  	[smem:$0x3FBE] =	sst s2  }
0x8f: {  	_ = 	snop  }
0x90: {  	s2 =	sld [smem:$0x3FD0];
	(tm) =	ssettm $0x1  }
0x91: {  	s18 =	sld [smem:$0x3FFB];
	_ =	sdelay $0x3  }
0x92: {  	_ =	strace s18  }
0x93: {  	s3 =	sld [smem:$0x3FFC];
	_ =	sdelay $0x3  }
0x94: {  	_ =	strace s3  }
0x95: {  	s3 =	sld [smem:$0x3FFD];
	_ =	sdelay $0x3  }
0x96: {  	_ =	strace s3  }
0x97: {  	_ =	strace $0x8FFFFFFF  }
0x98: {  	s19 =	sld [smem:$0x3FDB];
	_ =	sdelay $0x1  }
0x99: {  	s4 =	simm.s32 $_scs_section_size  }
0x9a: {  	s5 =	simm.s32 $_size__tile_overlayer_lowered;
	s6 =	simm.s32 $_tile_overlayer_lowered  }
0x9b: {  	s22 =	simm.s32 $0x1BFF;
	s21 =	sshll.u32 s6, $0x1;
	s3 =	sadd.s32 s4, s19  }
0x9c: {  	s7 =	simm.s32 $0x0;
	s20 =	sshll.u32 s5, $0x1;
	s5 =	sadd.s32 s21, s3  }
0x9d: {  	[timem:s7], [sflag:s22] =	dma.local [hbm:s5], s20  }
0x9e: {  	_ =	swait.ge [sflag:s22], s20  }
0x9f: {  	s4 =	ssub.s32 $0x0, s20;
	[sflag:s22] =	ssyncset.done $0x0  }
0xa0: {  	[sflag:s22] =	ssyncadd.s32 s4;
	_ =	sdelay $0x1  }
0xa1: {  	s23 =	simm.s32 $0x1B8B  }
0xa2: {  	_ =	swait.ge [sflag:s23], $0x1  }
0xa3: {  	[sflag:s23] =	ssyncset.done $0x0  }
0xa4: {  	s25 =	simm.s32 $0x1B8E;
	s24 =	sld [smem:$0x3FFE];
	[sflag:s23] =	ssyncadd.s32 $0xFFFFFFFF  }
0xa5: {  	s26 =	simm.s32 $execute0_lowered;
	[smem:$0x3FD2] =	sst s25  }
0xa6: {  	s5 =	sshll.u32 s26, $0x1;
	_ =	strace $0x80000049;
	[dreg:$0x1] =	wrdreg $0xFFFFFFFF  }
0xa7: {  	s28 =	simm.s32 $_size_execute0_lowered;
	s3 =	sadd.s32 s3, s5;
	[dreg:$0x0] =	wrdreg $0x0  }
0xa8: {  	s5 =	sshll.u32 s28, $0x1;
	[dreg:$0x2] =	wrdreg s3  }
0xa9: {  	[dreg:$0x3] =	wrdreg s5  }
0xaa: {  	[dreg:$0x4] =	wrdreg $0xC0  }
0xab: {  	_ =	task [dreg:s7], $0x5FFFF  }
0xac: {  	[dreg:$0x1] =	wrdreg $0xFFFFFFFF  }
0xad: {  	[dreg:$0x0] =	wrdreg $0x60  }
0xae: {  	[dreg:$0x2] =	wrdreg s2  }
0xaf: {  	[dreg:$0x3] =	wrdreg s24  }
0xb0: {  	[dreg:$0x4] =	wrdreg $0x82000  }
0xb1: {  	[dreg:$0x5] =	wrdreg $0x9  }
0xb2: {  	_ =	task.clear_ibuf [dreg:s7], $0x6FFFF;
	_ =	strace $0x90000049  }
0xb3: {  	s29 =	simm.s32 $0x9;
	_ =	strace $0x8000004B  }
0xb4: {  	_ =	swait.ge [sflag:s29], $0x1  }
0xb5: {  	[sflag:s29] =	ssyncadd.s32 $0xFFFFFFFF  }
0xb6: {  	_ =	strace $0x9000004B  }
0xb7: {  	_ =	sfence  }
0xb8: {  	s30 =	sld [smem:$0x0];
	_ =	sdelay $0x2  }
0xb9: {  	s31 =	sshll.u32 s1, $0xD;
	s1 =	sshrl.u32 s1, $0x2  }
0xba: {  	s3 =	sand.u32 $0x4000, s31;
	s1 =	sadd.s32 s1, s30  }
0xbb: {  	s0 =	sor.u32 s3, s0;
	s1 =	sshll.u32 s1, $0x11  }
0xbc: {  	s0 =	sor.u32 s1, s0  }
0xbd: {  	s0 =	sadd.s32 $0x8F2B, s0  }
0xbe: {  	[sflag:s0] =	ssyncadd.remote.s32 $0x1  }
0xbf: {  	_ =	sfence.sel $0xFFFF  }
0xc0: {  	[dreg:$0x0] =	wrdreg $0xFFFFFFFF;
	(pc) =	sbr.abs _section_cstart, $3  }
0xc1: {  	[dreg:$0x1] =	wrdreg $0xFFFFFFFF  }
0xc2: {  	_ =	task.clear_ibuf [dreg:s7], $0x2FFFF;
	_ =	strace $0x9FFFFFFF  }
0xc3: {  	(tm) =	ssettm $0x7FFFFFFF  }
tec
execute0_lowered:
.L_overlay_start_1:
0x0: {  	(tag) =	ssettag $0x1  }
0x1: {  	s1 =	rddreg [dreg:$0x0]  }
0x2: {  	s7 =	rddreg [dreg:$0x1]  }
0x3: {  	s2 =	rddreg [dreg:$0x2]  }
0x4: {  	s3 =	srdreg.scid;
	s4 =	simm.s32 $0x0;
	s19 =	simm.s32 $0x200  }
0x5: {  	s20 =	simm.s32 $0x3;
	s21 =	simm.s32 $0x100;
	s22 =	simm.s32 $0x80  }
0x6: {  	s23 =	simm.s32 $0x180;
	s24 =	simm.s32 $0x1;
	s8 =	sand.u32 $0x1, s3  }
0x7: {  	s28 =	simm.s32 $0x0;
	s3 =	stileid.u32;
	s9 =	smul.u32 $0x140000, s8  }
0x8: {  	[smem:$0x7FF] =	sst s4;
	s5 =	sadd.s32 $0x5CC00, s7;
	s10 =	smul.u32 $0x14000, s3  }
0x9: {  	s6 =	sadd.s32 $0x2C00, s7;
	_ =	strace $0x8000004A;
	s11 =	smul.u32 $0x50000, s3  }
0xa: {  	s25 =	sshll.u32 s8, $0x4;
	s26 =	ssub.s32 $0x2, s8;
	s13 =	smul.u32 $0x28000, s8  }
0xb: {  	s16 =	smul.u32 $0x2800, s3;
	s29 =	sshrl.u32 s26, $0x1;
	s9 =	sadd.s32 s10, s9  }
0xc: {  	s10 =	sor.u32 s3, s25;
	s30 =	sshrl.u32 s11, $0x2;
	s15 =	ssub.s32 s26, s29  }
0xd: {  	s16 =	sadd.s32 s16, s13;
	s25 =	simm.s32 $0x2;
	s26 =	simm.s32 $0x4200  }
0xe: {  	s9 =	sshrl.u32 s9, $0x3;
	s12 =	smul.u32 $0x2800, s10;
	s31 =	sor.u32 $0x80, s16  }
0xf: {  	s15 =	smax.u32 s15, $0x1;
	s14 =	sadd.s32 s9, s7;
	s7 =	sadd.s32 s30, s2  }
0x10: {  	s16 =	sor.u32 $0x100, s16;
	s18 =	sshrl.u32 s31, $0x3;
	s8 =	sadd.s32 $0x4000, s7  }
0x11: {  	s9 =	sadd.s32 $0x8000, s7;
	s10 =	sadd.s32 $0xC000, s7;
	s17 =	sshrl.u32 s12, $0x3  }
0x12: {  	s11 =	sadd.s32 $0x10000, s7;
	s14 =	sadd.s32 $0x66C00, s14;
	s12 =	sadd.s32 s5, s17  }
0x13: {  	v0 =	vimm.f32 $0.0e+00;
	s13 =	sadd.s32 s6, s17;
	s17 =	sadd.s32 s18, s6;
	s18 =	sadd.s32 s18, s5  }
.LBB2_1:
0x14: {  	s29 =	sand.u32 $0xFE00, s4  }
0x15: {  	s30 =	sand.u32 $0x70, s4;
	s31 =	sshrl.u32 s29, $0x2  }
0x16: {  	s29 =	simm.s32 $0x40;
	s31 =	sor.u32 s30, s31;
	s30 =	simm.s32 $0x0  }
.LBB2_2:
0x17: {  	p0 =	sne.s32 s29, $0xFFC0  }
0x18: {  	[tilespmem:s31+$0x200] =	vst v0;
	s30 =	sadd.s32 $0x10, s30;
	s31 =	smov.u32 s29;
	s29 =	sadd.s32 $0x40, s29  }
.Ltmp0:
0x19: {  	(pc) =	sbr.rel @p0 .LBB2_2-.Ltmp0, $4  }
0x1a: {  	_ = 	snop  }
0x1b: {  	s31 =	sand.u32 $0xFE00, s31  }
0x1c: {  	s0 =	sand.u32 $0x70, s30;
	s31 =	sshrl.u32 s31, $0x2  }
0x1d: {  	s31 =	sor.u32 s0, s31  }
0x1e: {  	[tilespmem:s31+$0x200] =	vst v0  }
0x1f: {  	[spmem:s7] =	stream.linear.scatter [tilespmem:s19], [sflag:$0x3], $0x4000, $0x38;
	[tilespmem:$0x1C200] =	vst v63  }
0x20: {  	_ =	swait.ge [sflag:s20], $0x4000  }
0x21: {  	[sflag:s20] =	ssyncset.done $0x0  }
0x22: {  	[sflag:s20] =	ssyncadd.s32 $0xFFFFC000  }
0x23: {  	[spmem:s8] =	stream.linear.scatter [tilespmem:s19], [sflag:$0x3], $0x4000, $0x38;
	[tilespmem:$0x1C200] =	vst v63  }
0x24: {  	_ =	swait.ge [sflag:s20], $0x4000  }
0x25: {  	[sflag:s20] =	ssyncset.done $0x0  }
0x26: {  	[sflag:s20] =	ssyncadd.s32 $0xFFFFC000  }
0x27: {  	[spmem:s9] =	stream.linear.scatter [tilespmem:s19], [sflag:$0x3], $0x4000, $0x38;
	[tilespmem:$0x1C200] =	vst v63  }
0x28: {  	_ =	swait.ge [sflag:s20], $0x4000  }
0x29: {  	[sflag:s20] =	ssyncset.done $0x0  }
0x2a: {  	[sflag:s20] =	ssyncadd.s32 $0xFFFFC000  }
0x2b: {  	[spmem:s10] =	stream.linear.scatter [tilespmem:s19], [sflag:$0x3], $0x4000, $0x38;
	[tilespmem:$0x1C200] =	vst v63  }
0x2c: {  	_ =	swait.ge [sflag:s20], $0x4000  }
0x2d: {  	[sflag:s20] =	ssyncset.done $0x0  }
0x2e: {  	[sflag:s20] =	ssyncadd.s32 $0xFFFFC000  }
0x2f: {  	[spmem:s11] =	stream.linear.scatter [tilespmem:s19], [sflag:$0x3], $0x4000, $0x38;
	[tilespmem:$0x1C200] =	vst v63  }
0x30: {  	_ =	swait.ge [sflag:s20], $0x4000  }
0x31: {  	[sflag:s20] =	ssyncset.done $0x0  }
0x32: {  	s0 =	simm.s32 $0x0;
	[sflag:s20] =	ssyncadd.s32 $0xFFFFC000  }
0x33: {  	[tilespmem:s0], [sflag:$0x3] =	stream.linear.gather [hbm4b:s12+s0], $0x80, $0x38;
	[tilespmem:$0x1C200] =	vst v63  }
0x34: {  	_ =	swait.ge [sflag:s20], $0x80  }
0x35: {  	[sflag:s20] =	ssyncset.done $0x0  }
0x36: {  	[sflag:s20] =	ssyncadd.s32 $0xFFFFFF80  }
0x37: {  	[tilespmem:s21], [sflag:$0x3] =	stream.linear.gather [hbm4b:s13+s0], $0x80, $0x38;
	[tilespmem:$0x1C200] =	vst v63  }
0x38: {  	_ =	swait.ge [sflag:s20], $0x80  }
0x39: {  	[sflag:s20] =	ssyncset.done $0x0  }
0x3a: {  	[sflag:s20] =	ssyncadd.s32 $0xFFFFFF80  }
0x3b: {  	[bflag:$0x0] =	sbarrier.arrive $0xFFFF  }
0x3c: {  	[tilespmem:s19], [sflag:$0x1] =	stream.indirect.gather [hbm4b:s1+s22], $0x80, s4, s22, $0xb8;
	[tilespmem:$0x1C200] =	vst v63  }
0x3d: {  	s31 =	sadd.s32 $0x0, s18  }
0x3e: {  	[tilespmem:s22], [sflag:$0x2] =	stream.linear.gather [hbm4b:s31+s4], $0x80, $0x38;
	[tilespmem:$0x1C200] =	vst v63  }
0x3f: {  	s31 =	sadd.s32 $0x0, s17  }
0x40: {  	[tilespmem:s23], [sflag:$0x2] =	stream.linear.gather [hbm4b:s31+s4], $0x80, $0x38;
	[tilespmem:$0x1C200] =	vst v63  }
0x41: {  	_ =	swait.ge [sflag:s24], $0x4000  }
0x42: {  	[sflag:s24] =	ssyncset.done $0x0  }
0x43: {  	[sflag:s24] =	ssyncadd.s32 $0xFFFFC000  }
0x44: {  	_ =	swait.ge [sflag:s25], $0x80  }
0x45: {  	[sflag:s25] =	ssyncset.done $0x0  }
0x46: {  	[sflag:s25] =	ssyncadd.s32 $0xFFFFFF80  }
0x47: {  	_ =	swait.ge [sflag:s25], $0x80  }
0x48: {  	[sflag:s25] =	ssyncset.done $0x0  }
0x49: {  	[sflag:s25] =	ssyncadd.s32 $0xFFFFFF80  }
0x4a: {  	[tilespmem:s26], [sflag:$0x1] =	stream.indirect.gather [hbm4b:s1+s22], $0x80, s22, s22, $0xb8;
	[tilespmem:$0x1C200] =	vst v63  }
0x4b: {  	p0 =	slt.s32 s16, $0x4FF80;
	s0 =	smov.u32 s16  }
0x4c: {  	[spmem:s2] =	stream.indirect.scatter.add.f32 [tilespmem:s19], [sflag:$0x3], $0x80, s21, s22, $0xb8;
	[tilespmem:$0x1C200] =	vst v63  }
0x4d: {  	s0 =	simm.s32 @!p0 $0x4FF80;
	_ =	swait.ge [sflag:s20], $0x4000  }
0x4e: {  	s0 =	sshrl.u32 s0, $0x3;
	[sflag:s20] =	ssyncset.done $0x0  }
0x4f: {  	s29 =	sadd.s32 s5, s0;
	[sflag:s20] =	ssyncadd.s32 $0xFFFFC000  }
0x50: {  	[tilespmem:s4], [sflag:$0x2] =	stream.linear.gather [hbm4b:s29+s4], $0x80, $0x38;
	[tilespmem:$0x1C200] =	vst v63  }
0x51: {  	s0 =	sadd.s32 s6, s0  }
0x52: {  	[tilespmem:s21], [sflag:$0x2] =	stream.linear.gather [hbm4b:s0+s4], $0x80, $0x38;
	[tilespmem:$0x1C200] =	vst v63  }
0x53: {  	_ =	swait.ge [sflag:s24], $0x4000  }
0x54: {  	[sflag:s24] =	ssyncset.done $0x0  }
0x55: {  	[sflag:s24] =	ssyncadd.s32 $0xFFFFC000  }
0x56: {  	[spmem:s2] =	stream.indirect.scatter.add.f32 [tilespmem:s26], [sflag:$0x3], $0x80, s23, s22, $0xb8;
	[tilespmem:$0x1C200] =	vst v63  }
0x57: {  	_ =	swait.ge [sflag:s20], $0x4000  }
0x58: {  	[sflag:s20] =	ssyncset.done $0x0  }
0x59: {  	[sflag:s20] =	ssyncadd.s32 $0xFFFFC000  }
0x5a: {  	_ =	swait.ge [sflag:s25], $0x80  }
0x5b: {  	[sflag:s25] =	ssyncset.done $0x0  }
0x5c: {  	[sflag:s25] =	ssyncadd.s32 $0xFFFFFF80  }
0x5d: {  	_ =	swait.ge [sflag:s25], $0x80  }
0x5e: {  	s30 =	smov.u32 s16;
	s29 =	simm.s32 $0x20;
	[sflag:s25] =	ssyncset.done $0x0  }
.LBB2_4:
0x5f: {  	p0 =	sne.s32 s29, $0x4E0;
	[sflag:s25] =	ssyncadd.s32 $0xFFFFFF80;
	s30 =	sadd.s32 $0x100, s30  }
0x60: {  	[tilespmem:s19], [sflag:$0x1] =	stream.indirect.gather [hbm4b:s1+s22], $0x80, s4, s22, $0xb8;
	[tilespmem:$0x1C200] =	vst v63  }
0x61: {  	s0 =	sadd.s32 s29, s18;
	s31 =	smov.u32 s29;
	s29 =	sadd.s32 $0x20, s29  }
0x62: {  	[tilespmem:s22], [sflag:$0x2] =	stream.linear.gather [hbm4b:s0+s4], $0x80, $0x38;
	[tilespmem:$0x1C200] =	vst v63  }
0x63: {  	s0 =	sadd.s32 s31, s17  }
0x64: {  	[tilespmem:s23], [sflag:$0x2] =	stream.linear.gather [hbm4b:s0+s4], $0x80, $0x38;
	[tilespmem:$0x1C200] =	vst v63  }
0x65: {  	_ =	swait.ge [sflag:s24], $0x4000  }
0x66: {  	[sflag:s24] =	ssyncset.done $0x0  }
0x67: {  	[sflag:s24] =	ssyncadd.s32 $0xFFFFC000  }
0x68: {  	_ =	swait.ge [sflag:s25], $0x80  }
0x69: {  	[sflag:s25] =	ssyncset.done $0x0  }
0x6a: {  	[sflag:s25] =	ssyncadd.s32 $0xFFFFFF80  }
0x6b: {  	_ =	swait.ge [sflag:s25], $0x80  }
0x6c: {  	[sflag:s25] =	ssyncset.done $0x0  }
0x6d: {  	[sflag:s25] =	ssyncadd.s32 $0xFFFFFF80  }
0x6e: {  	[tilespmem:s26], [sflag:$0x1] =	stream.indirect.gather [hbm4b:s1+s22], $0x80, s22, s22, $0xb8;
	[tilespmem:$0x1C200] =	vst v63  }
0x6f: {  	p1 =	slt.s32 s30, $0x4FF80;
	s0 =	smov.u32 s30  }
0x70: {  	[spmem:s2] =	stream.indirect.scatter.add.f32 [tilespmem:s19], [sflag:$0x3], $0x80, s21, s22, $0xb8;
	[tilespmem:$0x1C200] =	vst v63  }
0x71: {  	s0 =	simm.s32 @!p1 $0x4FF80;
	_ =	swait.ge [sflag:s20], $0x4000  }
0x72: {  	s0 =	sshrl.u32 s0, $0x3;
	[sflag:s20] =	ssyncset.done $0x0  }
0x73: {  	s31 =	sadd.s32 s5, s0;
	[sflag:s20] =	ssyncadd.s32 $0xFFFFC000  }
0x74: {  	[tilespmem:s4], [sflag:$0x2] =	stream.linear.gather [hbm4b:s31+s4], $0x80, $0x38;
	[tilespmem:$0x1C200] =	vst v63  }
0x75: {  	s0 =	sadd.s32 s6, s0  }
0x76: {  	[tilespmem:s21], [sflag:$0x2] =	stream.linear.gather [hbm4b:s0+s4], $0x80, $0x38;
	[tilespmem:$0x1C200] =	vst v63  }
0x77: {  	_ =	swait.ge [sflag:s24], $0x4000  }
0x78: {  	[sflag:s24] =	ssyncset.done $0x0  }
0x79: {  	[sflag:s24] =	ssyncadd.s32 $0xFFFFC000  }
0x7a: {  	[spmem:s2] =	stream.indirect.scatter.add.f32 [tilespmem:s26], [sflag:$0x3], $0x80, s23, s22, $0xb8;
	[tilespmem:$0x1C200] =	vst v63  }
0x7b: {  	_ =	swait.ge [sflag:s20], $0x4000  }
0x7c: {  	[sflag:s20] =	ssyncset.done $0x0  }
0x7d: {  	[sflag:s20] =	ssyncadd.s32 $0xFFFFC000  }
.Ltmp1:
0x7e: {  	_ =	swait.ge [sflag:s25], $0x80;
	(pc) =	sbr.rel @p0 .LBB2_4-.Ltmp1, $4  }
0x7f: {  	[sflag:s25] =	ssyncset.done $0x0  }
0x80: {  	[sflag:s25] =	ssyncadd.s32 $0xFFFFFF80  }
0x81: {  	_ =	swait.ge [sflag:s25], $0x80  }
0x82: {  	[sflag:s25] =	ssyncset.done $0x0  }
0x83: {  	[sflag:s25] =	ssyncadd.s32 $0xFFFFFF80;
	s28 =	sadd.s32 $0x1, s28  }
0x84: {  	s0 =	sshll.u32 s3, $0x6;
	s29 =	sshrl.u32 s7, $0x3;
	p0 =	sne.s32 s28, s15  }
.Ltmp2:
0x85: {  	[bflag:$0x0] =	sbarrier.arrive $0xFFFF;
	s0 =	sor.u32 $0x1C03, s0;
	(pc) =	sbr.rel @p0 .LBB2_1-.Ltmp2, $4  }
0x86: {  	[hbm:s14], [sflag:s0] =	dma.local [spmem:s29], $0x2800  }
0x87: {  	_ =	swait.ge [sflag:s20], $0x2800  }
0x88: {  	[sflag:s20] =	ssyncset.done $0x0  }
0x89: {  	[sflag:s20] =	ssyncadd.s32 $0xFFFFD800  }
0x8a: {  	_ =	sfence.sel $0x180000  }
0x8b: {  	[bflag:$0x0] =	sbarrier.arrive $0xFFFF  }
0x8c: {  	_ =	strace $0x9000004A  }
0x8d: {  	[bflag:$0x2] =	sbarrier.arrive $0xFFFF  }
0x8e: {  	p0 =	sne.s32 s3, $0x0;
	s0 =	rddreg [dreg:$0x3]  }
0x8f: {  	s0 =	sadd.s32 @!p0 $0x100000, s0  }
0x90: {  	[sflag:s0] =	ssyncadd.tile.s32 @!p0 $0x1;
	_ =	shalt  }
.Lfunc_end2:
_tile_overlayer_lowered:
.L_overlay_start_2:
0x91: {  	(tag) =	ssettag $0x2  }
0x92: {  	s0 =	rddreg [dreg:$0x0];
	s2 =	stileid.u32  }
0x93: {  	s1 =	rddreg [dreg:$0x1];
	p0 =	sne.s32 s2, $0x0  }
0x94: {  	s3 =	rddreg [dreg:$0x2];
	[bflag:$0x3] =	sbarrier.arrive $0xFFFF;
	s2 =	simm.s32 @!p0 $0x1C03  }
0x95: {  	[timem:s3], [sflag:s2] =	dma.local @!p0 [hbm:s0], s1  }
0x96: {  	s0 =	simm.s32 @!p0 $0x3  }
0x97: {  	_ =	swait.ge @!p0 [sflag:s0], s1  }
0x98: {  	s1 =	ssub.s32 @!p0 $0x0, s1;
	[sflag:s0] =	ssyncset.done @!p0 $0x0  }
0x99: {  	[sflag:s0] =	ssyncadd.s32 @!p0 s1  }
0x9a: {  	[bflag:$0x3] =	sbarrier.arrive $0xFFFF  }
0x9b: {  	_ =	shalt  }

// kernel: kernel.14.cloned.1.call-start
scs
__scs_entry_jumppad:
0x0: {  	(pc) =	sbr.rel $0x88, $3  }
0x1: {  	(tag) =	ssettag $0x0;
	lr =	simm.s32 $0x1  }
0x2: {  	[smem:$0x3F97] =	sst lr;
	_ =	strace $0xD0000000  }
0x3: {  	_ = 	snop  }
0x4: {  	_ = 	snop  }
0x5: {  	_ = 	snop  }
0x6: {  	_ = 	snop  }
0x7: {  	_ = 	snop  }
__scs_overlays_trampoline_lowered:
0x8: {  	[smem:$0x3FA6] =	sst s0  }
0x9: {  	[smem:$0x3FA7] =	sst s1  }
0xa: {  	[smem:$0x3FA8] =	sst s2  }
0xb: {  	[smem:$0x3FA9] =	sst s3  }
0xc: {  	[smem:$0x3FAA] =	sst s4  }
0xd: {  	[smem:$0x3FAB] =	sst s5  }
0xe: {  	[smem:$0x3FAC] =	sst s6  }
0xf: {  	[smem:$0x3FAD] =	sst s7  }
0x10: {  	[smem:$0x3FAE] =	sst s8  }
0x11: {  	[smem:$0x3FAF] =	sst s9;
	s0 =	simm.s32 @!p0 $0x0  }
0x12: {  	s1 =	sld [smem:$0x3F95];
	s0 =	simm.s32 @p0 $0x1  }
0x13: {  	[smem:$0x3FB0] =	sst s0;
	s0 =	simm.s32 @!p1 $0x0  }
0x14: {  	s2 =	sld [smem:$0x3F94];
	s0 =	simm.s32 @p1 $0x1  }
0x15: {  	[smem:$0x3FB1] =	sst s0;
	s0 =	simm.s32 @!p2 $0x0  }
0x16: {  	s3 =	sld [smem:$0x3FDB];
	s0 =	simm.s32 @p2 $0x1  }
0x17: {  	s4 =	simm.s32 $0x1BF5;
	[smem:$0x3FB3] =	sst s0  }
0x18: {  	s0 =	sld [smem:$0x3F96];
	_ =	swait.ge [sflag:s4], $0x0  }
0x19: {  	s7 =	sld [smem:$0x3F97]  }
0x1a: {  	s8 =	sadd.s32 $0xFFFFE003, lr  }
0x1b: {  	s9 =	sadd.s32 $0xFFFFFEF7, lr;
	s5 =	simm.s32 $0xFFFFFFFF;
	p2 =	slt.u32 s8, $0xFFFFF086  }
0x1c: {  	p1 =	slt.u32 s9, $0xF7A;
	s5 =	simm.s32 @!p2 $0x0  }
0x1d: {  	s5 =	simm.s32 @p1 $0x1;
	p0 =	seq.s32 s7, s2  }
0x1e: {  	s7 =	smul.u32 @!p0 $0xF7A, s2;
	p2 =	seq.s32 @!p0 s5, $0x0  }
0x1f: {  	s9 =	smul.u32 $0xF7A, s1;
	s8 =	simm.s32 @!p0 $0x1BF5;
	p2 =	por !p2, p0  }
0x20: {  	[sflag:s8] =	ssyncset.s32 @!p0 $0xFFFFF086;
	s6 =	sadd.s32 @!p0 s3, s7;
	s7 =	simm.s32 @!p0 $0x108  }
0x21: {  	s3 =	sadd.s32 s3, s9;
	s6 =	sadd.s32 @!p0 $0x88, s6;
	s7 =	simm.s32 @p2 $0x1082  }
0x22: {  	[simem:s7], [sflag:s8] =	dma.local @!p0 [hbm:s6], $0xF7A  }
0x23: {  	s9 =	sor.u32 $0xD0000000, s2;
	s6 =	simm.s32 $0x108;
	_ =	swait.ge @!p0 [sflag:s8], $0x0  }
0x24: {  	s3 =	sadd.s32 $0x88, s3;
	s6 =	simm.s32 @!p1 $0x1082;
	[sflag:s4] =	ssyncset.s32 $0xFFFFF086  }
0x25: {  	[simem:s6], [sflag:s4] =	dma.local [hbm:s3], $0xF7A  }
0x26: {  	[smem:$0x3F97] =	sst s1;
	(tag) =	ssettag s2;
	_ =	strace s9  }
0x27: {  	s1 =	sld [smem:$0x3FA7]  }
0x28: {  	s2 =	sld [smem:$0x3FA8]  }
0x29: {  	s4 =	sld [smem:$0x3FAA]  }
0x2a: {  	p0 =	seq.s32 s5, $0x0;
	s5 =	sld [smem:$0x3FAB]  }
0x2b: {  	s6 =	sld [smem:$0x3FAC]  }
0x2c: {  	s7 =	sld [smem:$0x3FAD]  }
0x2d: {  	s3 =	simm.s32 $0x108;
	s8 =	sld [smem:$0x3FAE]  }
0x2e: {  	s3 =	simm.s32 @!p0 $0x1082;
	s9 =	sld [smem:$0x3FAF]  }
0x2f: {  	lr =	sadd.s32 s0, s3;
	s0 =	sld [smem:$0x3FA6]  }
0x30: {  	s3 =	sld [smem:$0x3FA9]  }
0x31: {  	[smem:$0x3FB2] =	sst s10  }
0x32: {  	s10 =	sld [smem:$0x3FB0];
	_ =	sdelay $0x3  }
0x33: {  	p0 =	seq.s32 s10, $0x1;
	s10 =	sld [smem:$0x3FB2];
	_ =	sdelay $0x3  }
0x34: {  	[smem:$0x3FB2] =	sst s10  }
0x35: {  	s10 =	sld [smem:$0x3FB1];
	_ =	sdelay $0x3  }
0x36: {  	p1 =	seq.s32 s10, $0x1;
	s10 =	sld [smem:$0x3FB2];
	_ =	sdelay $0x3  }
0x37: {  	[smem:$0x3FB2] =	sst s10  }
0x38: {  	s10 =	sld [smem:$0x3FB3]  }
0x39: {  	_ = 	snop;
	(pc) =	sbr.ind lr, $3  }
0x3a: {  	_ = 	snop  }
0x3b: {  	_ = 	snop  }
0x3c: {  	p2 =	seq.s32 s10, $0x1;
	s10 =	sld [smem:$0x3FB2]  }
0x3d: {  	_ =	shalt  }
0x3e: {  	_ =	shalt  }
0x3f: {  	_ =	shalt  }
0x40: {  	_ =	shalt  }
0x41: {  	_ =	shalt  }
0x42: {  	_ =	shalt  }
0x43: {  	_ =	shalt  }
0x44: {  	_ =	shalt  }
0x45: {  	_ =	shalt  }
0x46: {  	_ =	shalt  }
0x47: {  	_ =	shalt  }
0x48: {  	_ =	shalt  }
0x49: {  	_ =	shalt  }
0x4a: {  	_ =	shalt  }
0x4b: {  	_ =	shalt  }
0x4c: {  	_ =	shalt  }
0x4d: {  	_ =	shalt  }
0x4e: {  	_ =	shalt  }
0x4f: {  	_ =	shalt  }
0x50: {  	_ =	shalt  }
0x51: {  	_ =	shalt  }
0x52: {  	_ =	shalt  }
0x53: {  	_ =	shalt  }
0x54: {  	_ =	shalt  }
0x55: {  	_ =	shalt  }
0x56: {  	_ =	shalt  }
0x57: {  	_ =	shalt  }
0x58: {  	_ =	shalt  }
0x59: {  	_ =	shalt  }
0x5a: {  	_ =	shalt  }
0x5b: {  	_ =	shalt  }
0x5c: {  	_ =	shalt  }
0x5d: {  	_ =	shalt  }
0x5e: {  	_ =	shalt  }
0x5f: {  	_ =	shalt  }
0x60: {  	_ =	shalt  }
0x61: {  	_ =	shalt  }
0x62: {  	_ =	shalt  }
0x63: {  	_ =	shalt  }
0x64: {  	_ =	shalt  }
0x65: {  	_ =	shalt  }
0x66: {  	_ =	shalt  }
0x67: {  	_ =	shalt  }
0x68: {  	_ =	shalt  }
0x69: {  	_ =	shalt  }
0x6a: {  	_ =	shalt  }
0x6b: {  	_ =	shalt  }
0x6c: {  	_ =	shalt  }
0x6d: {  	_ =	shalt  }
0x6e: {  	_ =	shalt  }
0x6f: {  	_ =	shalt  }
0x70: {  	_ =	shalt  }
0x71: {  	_ =	shalt  }
0x72: {  	_ =	shalt  }
0x73: {  	_ =	shalt  }
0x74: {  	_ =	shalt  }
0x75: {  	_ =	shalt  }
0x76: {  	_ =	shalt  }
0x77: {  	_ =	shalt  }
0x78: {  	_ =	shalt  }
0x79: {  	_ =	shalt  }
0x7a: {  	_ =	shalt  }
0x7b: {  	_ =	shalt  }
0x7c: {  	_ =	shalt  }
0x7d: {  	_ =	shalt  }
0x7e: {  	_ =	shalt  }
0x7f: {  	_ =	shalt  }
0x80: {  	_ =	shalt  }
0x81: {  	_ =	shalt  }
0x82: {  	_ =	shalt  }
0x83: {  	_ =	shalt  }
0x84: {  	_ =	shalt  }
0x85: {  	_ =	shalt  }
0x86: {  	_ =	shalt  }
0x87: {  	_ =	shalt  }
.Lfunc_end0:
.L_simem_size_0:
called_computation.2_lowered:
.L_overlay_start_0:
0x88: {  	s2 =	sld [smem:$0x3FD9]  }
0x89: {  	s3 =	sld [smem:$0x3FFE];
	_ =	sdelay $0x1  }
0x8a: {  	s1 =	srdreg.scid  }
0x8b: {  	s0 =	sand.u32 $0x1, s1  }
0x8c: {  	s17 =	sshll.u32 s0, $0xA;
	s2 =	sadd.s32 s3, s2  }
0x8d: {  	s2 =	sadd.s32 s2, s17  }
0x8e: {  	[smem:$0x3FBE] =	sst s2  }
0x8f: {  	_ = 	snop  }
0x90: {  	s2 =	sld [smem:$0x3FD0];
	(tm) =	ssettm $0x1  }
0x91: {  	s18 =	sld [smem:$0x3FFB];
	_ =	sdelay $0x3  }
0x92: {  	_ =	strace s18  }
0x93: {  	s3 =	sld [smem:$0x3FFC];
	_ =	sdelay $0x3  }
0x94: {  	_ =	strace s3  }
0x95: {  	s3 =	sld [smem:$0x3FFD];
	_ =	sdelay $0x3  }
0x96: {  	_ =	strace s3  }
0x97: {  	_ =	strace $0x8FFFFFFF  }
0x98: {  	s19 =	sld [smem:$0x3FDB];
	_ =	sdelay $0x1  }
0x99: {  	s4 =	simm.s32 $_scs_section_size  }
0x9a: {  	s5 =	simm.s32 $_size__tile_overlayer_lowered;
	s6 =	simm.s32 $_tile_overlayer_lowered  }
0x9b: {  	s22 =	simm.s32 $0x1BFF;
	s21 =	sshll.u32 s6, $0x1;
	s3 =	sadd.s32 s4, s19  }
0x9c: {  	s7 =	simm.s32 $0x0;
	s20 =	sshll.u32 s5, $0x1;
	s5 =	sadd.s32 s21, s3  }
0x9d: {  	[timem:s7], [sflag:s22] =	dma.local [hbm:s5], s20  }
0x9e: {  	_ =	swait.ge [sflag:s22], s20  }
0x9f: {  	s4 =	ssub.s32 $0x0, s20;
	[sflag:s22] =	ssyncset.done $0x0  }
0xa0: {  	[sflag:s22] =	ssyncadd.s32 s4;
	_ =	sdelay $0x1  }
0xa1: {  	s23 =	simm.s32 $0x1B8B  }
0xa2: {  	_ =	swait.ge [sflag:s23], $0x1  }
0xa3: {  	[sflag:s23] =	ssyncset.done $0x0  }
0xa4: {  	s25 =	simm.s32 $0x1B8E;
	s24 =	sld [smem:$0x3FFE];
	[sflag:s23] =	ssyncadd.s32 $0xFFFFFFFF  }
0xa5: {  	s26 =	simm.s32 $execute0_lowered;
	[smem:$0x3FD2] =	sst s25  }
0xa6: {  	s5 =	sshll.u32 s26, $0x1;
	_ =	strace $0x8000004C;
	[dreg:$0x1] =	wrdreg $0xFFFFFFFF  }
0xa7: {  	s28 =	simm.s32 $_size_execute0_lowered;
	s3 =	sadd.s32 s3, s5;
	[dreg:$0x0] =	wrdreg $0x0  }
0xa8: {  	s5 =	sshll.u32 s28, $0x1;
	[dreg:$0x2] =	wrdreg s3  }
0xa9: {  	[dreg:$0x3] =	wrdreg s5  }
0xaa: {  	[dreg:$0x4] =	wrdreg $0xC0  }
0xab: {  	_ =	task [dreg:s7], $0x5FFFF  }
0xac: {  	[dreg:$0x1] =	wrdreg $0xFFFFFFFF  }
0xad: {  	[dreg:$0x0] =	wrdreg $0x60  }
0xae: {  	[dreg:$0x2] =	wrdreg s2  }
0xaf: {  	[dreg:$0x3] =	wrdreg s24  }
0xb0: {  	[dreg:$0x4] =	wrdreg $0x82000  }
0xb1: {  	[dreg:$0x5] =	wrdreg $0x9  }
0xb2: {  	_ =	task.clear_ibuf [dreg:s7], $0x6FFFF;
	_ =	strace $0x9000004C  }
0xb3: {  	s29 =	simm.s32 $0x9;
	_ =	strace $0x8000004E  }
0xb4: {  	_ =	swait.ge [sflag:s29], $0x1  }
0xb5: {  	[sflag:s29] =	ssyncadd.s32 $0xFFFFFFFF  }
0xb6: {  	_ =	strace $0x9000004E  }
0xb7: {  	_ =	sfence  }
0xb8: {  	s30 =	sld [smem:$0x0];
	_ =	sdelay $0x2  }
0xb9: {  	s31 =	sshll.u32 s1, $0xD;
	s1 =	sshrl.u32 s1, $0x2  }
0xba: {  	s3 =	sand.u32 $0x4000, s31;
	s1 =	sadd.s32 s1, s30  }
0xbb: {  	s0 =	sor.u32 s3, s0;
	s1 =	sshll.u32 s1, $0x11  }
0xbc: {  	s0 =	sor.u32 s1, s0  }
0xbd: {  	s0 =	sadd.s32 $0x8F2B, s0  }
0xbe: {  	[sflag:s0] =	ssyncadd.remote.s32 $0x1  }
0xbf: {  	_ =	sfence.sel $0xFFFF  }
0xc0: {  	[dreg:$0x0] =	wrdreg $0xFFFFFFFF;
	(pc) =	sbr.abs _section_cstart, $3  }
0xc1: {  	[dreg:$0x1] =	wrdreg $0xFFFFFFFF  }
0xc2: {  	_ =	task.clear_ibuf [dreg:s7], $0x2FFFF;
	_ =	strace $0x9FFFFFFF  }
0xc3: {  	(tm) =	ssettm $0x7FFFFFFF  }
tec
execute0_lowered:
.L_overlay_start_1:
0x0: {  	(tag) =	ssettag $0x1  }
0x1: {  	s1 =	rddreg [dreg:$0x0]  }
0x2: {  	s7 =	rddreg [dreg:$0x1]  }
0x3: {  	s2 =	rddreg [dreg:$0x2]  }
0x4: {  	s3 =	srdreg.scid;
	s4 =	simm.s32 $0x0;
	s19 =	simm.s32 $0x200  }
0x5: {  	s20 =	simm.s32 $0x3;
	s21 =	simm.s32 $0x100;
	s22 =	simm.s32 $0x80  }
0x6: {  	s23 =	simm.s32 $0x180;
	s24 =	simm.s32 $0x1;
	s8 =	sand.u32 $0x1, s3  }
0x7: {  	s28 =	simm.s32 $0x0;
	s3 =	stileid.u32;
	s9 =	smul.u32 $0x140000, s8  }
0x8: {  	[smem:$0x7FF] =	sst s4;
	s5 =	sadd.s32 $0x5CC00, s7;
	s10 =	smul.u32 $0x14000, s3  }
0x9: {  	s6 =	sadd.s32 $0x2C00, s7;
	_ =	strace $0x8000004D;
	s11 =	smul.u32 $0x50000, s3  }
0xa: {  	s25 =	sshll.u32 s8, $0x4;
	s26 =	ssub.s32 $0x2, s8;
	s13 =	smul.u32 $0x28000, s8  }
0xb: {  	s16 =	smul.u32 $0x2800, s3;
	s29 =	sshrl.u32 s26, $0x1;
	s9 =	sadd.s32 s10, s9  }
0xc: {  	s10 =	sor.u32 s3, s25;
	s30 =	sshrl.u32 s11, $0x2;
	s15 =	ssub.s32 s26, s29  }
0xd: {  	s16 =	sadd.s32 s16, s13;
	s25 =	simm.s32 $0x2;
	s26 =	simm.s32 $0x4200  }
0xe: {  	s9 =	sshrl.u32 s9, $0x3;
	s12 =	smul.u32 $0x2800, s10;
	s31 =	sor.u32 $0x80, s16  }
0xf: {  	s15 =	smax.u32 s15, $0x1;
	s14 =	sadd.s32 s9, s7;
	s7 =	sadd.s32 s30, s2  }
0x10: {  	s16 =	sor.u32 $0x100, s16;
	s18 =	sshrl.u32 s31, $0x3;
	s8 =	sadd.s32 $0x4000, s7  }
0x11: {  	s9 =	sadd.s32 $0x8000, s7;
	s10 =	sadd.s32 $0xC000, s7;
	s17 =	sshrl.u32 s12, $0x3  }
0x12: {  	s11 =	sadd.s32 $0x10000, s7;
	s14 =	sadd.s32 $0x66C00, s14;
	s12 =	sadd.s32 s5, s17  }
0x13: {  	v0 =	vimm.f32 $0.0e+00;
	s13 =	sadd.s32 s6, s17;
	s17 =	sadd.s32 s18, s6;
	s18 =	sadd.s32 s18, s5  }
.LBB2_1:
0x14: {  	s29 =	sand.u32 $0xFE00, s4  }
0x15: {  	s30 =	sand.u32 $0x70, s4;
	s31 =	sshrl.u32 s29, $0x2  }
0x16: {  	s29 =	simm.s32 $0x40;
	s31 =	sor.u32 s30, s31;
	s30 =	simm.s32 $0x0  }
.LBB2_2:
0x17: {  	p0 =	sne.s32 s29, $0xFFC0  }
0x18: {  	[tilespmem:s31+$0x200] =	vst v0;
	s30 =	sadd.s32 $0x10, s30;
	s31 =	smov.u32 s29;
	s29 =	sadd.s32 $0x40, s29  }
.Ltmp0:
0x19: {  	(pc) =	sbr.rel @p0 .LBB2_2-.Ltmp0, $4  }
0x1a: {  	_ = 	snop  }
0x1b: {  	s31 =	sand.u32 $0xFE00, s31  }
0x1c: {  	s0 =	sand.u32 $0x70, s30;
	s31 =	sshrl.u32 s31, $0x2  }
0x1d: {  	s31 =	sor.u32 s0, s31  }
0x1e: {  	[tilespmem:s31+$0x200] =	vst v0  }
0x1f: {  	[spmem:s7] =	stream.linear.scatter [tilespmem:s19], [sflag:$0x3], $0x4000, $0x38;
	[tilespmem:$0x1C200] =	vst v63  }
0x20: {  	_ =	swait.ge [sflag:s20], $0x4000  }
0x21: {  	[sflag:s20] =	ssyncset.done $0x0  }
0x22: {  	[sflag:s20] =	ssyncadd.s32 $0xFFFFC000  }
0x23: {  	[spmem:s8] =	stream.linear.scatter [tilespmem:s19], [sflag:$0x3], $0x4000, $0x38;
	[tilespmem:$0x1C200] =	vst v63  }
0x24: {  	_ =	swait.ge [sflag:s20], $0x4000  }
0x25: {  	[sflag:s20] =	ssyncset.done $0x0  }
0x26: {  	[sflag:s20] =	ssyncadd.s32 $0xFFFFC000  }
0x27: {  	[spmem:s9] =	stream.linear.scatter [tilespmem:s19], [sflag:$0x3], $0x4000, $0x38;
	[tilespmem:$0x1C200] =	vst v63  }
0x28: {  	_ =	swait.ge [sflag:s20], $0x4000  }
0x29: {  	[sflag:s20] =	ssyncset.done $0x0  }
0x2a: {  	[sflag:s20] =	ssyncadd.s32 $0xFFFFC000  }
0x2b: {  	[spmem:s10] =	stream.linear.scatter [tilespmem:s19], [sflag:$0x3], $0x4000, $0x38;
	[tilespmem:$0x1C200] =	vst v63  }
0x2c: {  	_ =	swait.ge [sflag:s20], $0x4000  }
0x2d: {  	[sflag:s20] =	ssyncset.done $0x0  }
0x2e: {  	[sflag:s20] =	ssyncadd.s32 $0xFFFFC000  }
0x2f: {  	[spmem:s11] =	stream.linear.scatter [tilespmem:s19], [sflag:$0x3], $0x4000, $0x38;
	[tilespmem:$0x1C200] =	vst v63  }
0x30: {  	_ =	swait.ge [sflag:s20], $0x4000  }
0x31: {  	[sflag:s20] =	ssyncset.done $0x0  }
0x32: {  	s0 =	simm.s32 $0x0;
	[sflag:s20] =	ssyncadd.s32 $0xFFFFC000  }
0x33: {  	[tilespmem:s0], [sflag:$0x3] =	stream.linear.gather [hbm4b:s12+s0], $0x80, $0x38;
	[tilespmem:$0x1C200] =	vst v63  }
0x34: {  	_ =	swait.ge [sflag:s20], $0x80  }
0x35: {  	[sflag:s20] =	ssyncset.done $0x0  }
0x36: {  	[sflag:s20] =	ssyncadd.s32 $0xFFFFFF80  }
0x37: {  	[tilespmem:s21], [sflag:$0x3] =	stream.linear.gather [hbm4b:s13+s0], $0x80, $0x38;
	[tilespmem:$0x1C200] =	vst v63  }
0x38: {  	_ =	swait.ge [sflag:s20], $0x80  }
0x39: {  	[sflag:s20] =	ssyncset.done $0x0  }
0x3a: {  	[sflag:s20] =	ssyncadd.s32 $0xFFFFFF80  }
0x3b: {  	[bflag:$0x0] =	sbarrier.arrive $0xFFFF  }
0x3c: {  	[tilespmem:s19], [sflag:$0x1] =	stream.indirect.gather [hbm4b:s1+s22], $0x80, s4, s22, $0xb8;
	[tilespmem:$0x1C200] =	vst v63  }
0x3d: {  	s31 =	sadd.s32 $0x0, s18  }
0x3e: {  	[tilespmem:s22], [sflag:$0x2] =	stream.linear.gather [hbm4b:s31+s4], $0x80, $0x38;
	[tilespmem:$0x1C200] =	vst v63  }
0x3f: {  	s31 =	sadd.s32 $0x0, s17  }
0x40: {  	[tilespmem:s23], [sflag:$0x2] =	stream.linear.gather [hbm4b:s31+s4], $0x80, $0x38;
	[tilespmem:$0x1C200] =	vst v63  }
0x41: {  	_ =	swait.ge [sflag:s24], $0x4000  }
0x42: {  	[sflag:s24] =	ssyncset.done $0x0  }
0x43: {  	[sflag:s24] =	ssyncadd.s32 $0xFFFFC000  }
0x44: {  	_ =	swait.ge [sflag:s25], $0x80  }
0x45: {  	[sflag:s25] =	ssyncset.done $0x0  }
0x46: {  	[sflag:s25] =	ssyncadd.s32 $0xFFFFFF80  }
0x47: {  	_ =	swait.ge [sflag:s25], $0x80  }
0x48: {  	[sflag:s25] =	ssyncset.done $0x0  }
0x49: {  	[sflag:s25] =	ssyncadd.s32 $0xFFFFFF80  }
0x4a: {  	[tilespmem:s26], [sflag:$0x1] =	stream.indirect.gather [hbm4b:s1+s22], $0x80, s22, s22, $0xb8;
	[tilespmem:$0x1C200] =	vst v63  }
0x4b: {  	p0 =	slt.s32 s16, $0x4FF80;
	s0 =	smov.u32 s16  }
0x4c: {  	[spmem:s2] =	stream.indirect.scatter.add.f32 [tilespmem:s19], [sflag:$0x3], $0x80, s21, s22, $0xb8;
	[tilespmem:$0x1C200] =	vst v63  }
0x4d: {  	s0 =	simm.s32 @!p0 $0x4FF80;
	_ =	swait.ge [sflag:s20], $0x4000  }
0x4e: {  	s0 =	sshrl.u32 s0, $0x3;
	[sflag:s20] =	ssyncset.done $0x0  }
0x4f: {  	s29 =	sadd.s32 s5, s0;
	[sflag:s20] =	ssyncadd.s32 $0xFFFFC000  }
0x50: {  	[tilespmem:s4], [sflag:$0x2] =	stream.linear.gather [hbm4b:s29+s4], $0x80, $0x38;
	[tilespmem:$0x1C200] =	vst v63  }
0x51: {  	s0 =	sadd.s32 s6, s0  }
0x52: {  	[tilespmem:s21], [sflag:$0x2] =	stream.linear.gather [hbm4b:s0+s4], $0x80, $0x38;
	[tilespmem:$0x1C200] =	vst v63  }
0x53: {  	_ =	swait.ge [sflag:s24], $0x4000  }
0x54: {  	[sflag:s24] =	ssyncset.done $0x0  }
0x55: {  	[sflag:s24] =	ssyncadd.s32 $0xFFFFC000  }
0x56: {  	[spmem:s2] =	stream.indirect.scatter.add.f32 [tilespmem:s26], [sflag:$0x3], $0x80, s23, s22, $0xb8;
	[tilespmem:$0x1C200] =	vst v63  }
0x57: {  	_ =	swait.ge [sflag:s20], $0x4000  }
0x58: {  	[sflag:s20] =	ssyncset.done $0x0  }
0x59: {  	[sflag:s20] =	ssyncadd.s32 $0xFFFFC000  }
0x5a: {  	_ =	swait.ge [sflag:s25], $0x80  }
0x5b: {  	[sflag:s25] =	ssyncset.done $0x0  }
0x5c: {  	[sflag:s25] =	ssyncadd.s32 $0xFFFFFF80  }
0x5d: {  	_ =	swait.ge [sflag:s25], $0x80  }
0x5e: {  	s30 =	smov.u32 s16;
	s29 =	simm.s32 $0x20;
	[sflag:s25] =	ssyncset.done $0x0  }
.LBB2_4:
0x5f: {  	p0 =	sne.s32 s29, $0x4E0;
	[sflag:s25] =	ssyncadd.s32 $0xFFFFFF80;
	s30 =	sadd.s32 $0x100, s30  }
0x60: {  	[tilespmem:s19], [sflag:$0x1] =	stream.indirect.gather [hbm4b:s1+s22], $0x80, s4, s22, $0xb8;
	[tilespmem:$0x1C200] =	vst v63  }
0x61: {  	s0 =	sadd.s32 s29, s18;
	s31 =	smov.u32 s29;
	s29 =	sadd.s32 $0x20, s29  }
0x62: {  	[tilespmem:s22], [sflag:$0x2] =	stream.linear.gather [hbm4b:s0+s4], $0x80, $0x38;
	[tilespmem:$0x1C200] =	vst v63  }
0x63: {  	s0 =	sadd.s32 s31, s17  }
0x64: {  	[tilespmem:s23], [sflag:$0x2] =	stream.linear.gather [hbm4b:s0+s4], $0x80, $0x38;
	[tilespmem:$0x1C200] =	vst v63  }
0x65: {  	_ =	swait.ge [sflag:s24], $0x4000  }
0x66: {  	[sflag:s24] =	ssyncset.done $0x0  }
0x67: {  	[sflag:s24] =	ssyncadd.s32 $0xFFFFC000  }
0x68: {  	_ =	swait.ge [sflag:s25], $0x80  }
0x69: {  	[sflag:s25] =	ssyncset.done $0x0  }
0x6a: {  	[sflag:s25] =	ssyncadd.s32 $0xFFFFFF80  }
0x6b: {  	_ =	swait.ge [sflag:s25], $0x80  }
0x6c: {  	[sflag:s25] =	ssyncset.done $0x0  }
0x6d: {  	[sflag:s25] =	ssyncadd.s32 $0xFFFFFF80  }
0x6e: {  	[tilespmem:s26], [sflag:$0x1] =	stream.indirect.gather [hbm4b:s1+s22], $0x80, s22, s22, $0xb8;
	[tilespmem:$0x1C200] =	vst v63  }
0x6f: {  	p1 =	slt.s32 s30, $0x4FF80;
	s0 =	smov.u32 s30  }
0x70: {  	[spmem:s2] =	stream.indirect.scatter.add.f32 [tilespmem:s19], [sflag:$0x3], $0x80, s21, s22, $0xb8;
	[tilespmem:$0x1C200] =	vst v63  }
0x71: {  	s0 =	simm.s32 @!p1 $0x4FF80;
	_ =	swait.ge [sflag:s20], $0x4000  }
0x72: {  	s0 =	sshrl.u32 s0, $0x3;
	[sflag:s20] =	ssyncset.done $0x0  }
0x73: {  	s31 =	sadd.s32 s5, s0;
	[sflag:s20] =	ssyncadd.s32 $0xFFFFC000  }
0x74: {  	[tilespmem:s4], [sflag:$0x2] =	stream.linear.gather [hbm4b:s31+s4], $0x80, $0x38;
	[tilespmem:$0x1C200] =	vst v63  }
0x75: {  	s0 =	sadd.s32 s6, s0  }
0x76: {  	[tilespmem:s21], [sflag:$0x2] =	stream.linear.gather [hbm4b:s0+s4], $0x80, $0x38;
	[tilespmem:$0x1C200] =	vst v63  }
0x77: {  	_ =	swait.ge [sflag:s24], $0x4000  }
0x78: {  	[sflag:s24] =	ssyncset.done $0x0  }
0x79: {  	[sflag:s24] =	ssyncadd.s32 $0xFFFFC000  }
0x7a: {  	[spmem:s2] =	stream.indirect.scatter.add.f32 [tilespmem:s26], [sflag:$0x3], $0x80, s23, s22, $0xb8;
	[tilespmem:$0x1C200] =	vst v63  }
0x7b: {  	_ =	swait.ge [sflag:s20], $0x4000  }
0x7c: {  	[sflag:s20] =	ssyncset.done $0x0  }
0x7d: {  	[sflag:s20] =	ssyncadd.s32 $0xFFFFC000  }
.Ltmp1:
0x7e: {  	_ =	swait.ge [sflag:s25], $0x80;
	(pc) =	sbr.rel @p0 .LBB2_4-.Ltmp1, $4  }
0x7f: {  	[sflag:s25] =	ssyncset.done $0x0  }
0x80: {  	[sflag:s25] =	ssyncadd.s32 $0xFFFFFF80  }
0x81: {  	_ =	swait.ge [sflag:s25], $0x80  }
0x82: {  	[sflag:s25] =	ssyncset.done $0x0  }
0x83: {  	[sflag:s25] =	ssyncadd.s32 $0xFFFFFF80;
	s28 =	sadd.s32 $0x1, s28  }
0x84: {  	s0 =	sshll.u32 s3, $0x6;
	s29 =	sshrl.u32 s7, $0x3;
	p0 =	sne.s32 s28, s15  }
.Ltmp2:
0x85: {  	[bflag:$0x0] =	sbarrier.arrive $0xFFFF;
	s0 =	sor.u32 $0x1C03, s0;
	(pc) =	sbr.rel @p0 .LBB2_1-.Ltmp2, $4  }
0x86: {  	[hbm:s14], [sflag:s0] =	dma.local [spmem:s29], $0x2800  }
0x87: {  	_ =	swait.ge [sflag:s20], $0x2800  }
0x88: {  	[sflag:s20] =	ssyncset.done $0x0  }
0x89: {  	[sflag:s20] =	ssyncadd.s32 $0xFFFFD800  }
0x8a: {  	_ =	sfence.sel $0x180000  }
0x8b: {  	[bflag:$0x0] =	sbarrier.arrive $0xFFFF  }
0x8c: {  	_ =	strace $0x9000004D  }
0x8d: {  	[bflag:$0x2] =	sbarrier.arrive $0xFFFF  }
0x8e: {  	p0 =	sne.s32 s3, $0x0;
	s0 =	rddreg [dreg:$0x3]  }
0x8f: {  	s0 =	sadd.s32 @!p0 $0x100000, s0  }
0x90: {  	[sflag:s0] =	ssyncadd.tile.s32 @!p0 $0x1;
	_ =	shalt  }
.Lfunc_end2:
_tile_overlayer_lowered:
.L_overlay_start_2:
0x91: {  	(tag) =	ssettag $0x2  }
0x92: {  	s0 =	rddreg [dreg:$0x0];
	s2 =	stileid.u32  }
0x93: {  	s1 =	rddreg [dreg:$0x1];
	p0 =	sne.s32 s2, $0x0  }
0x94: {  	s3 =	rddreg [dreg:$0x2];
	[bflag:$0x3] =	sbarrier.arrive $0xFFFF;
	s2 =	simm.s32 @!p0 $0x1C03  }
0x95: {  	[timem:s3], [sflag:s2] =	dma.local @!p0 [hbm:s0], s1  }
0x96: {  	s0 =	simm.s32 @!p0 $0x3  }
0x97: {  	_ =	swait.ge @!p0 [sflag:s0], s1  }
0x98: {  	s1 =	ssub.s32 @!p0 $0x0, s1;
	[sflag:s0] =	ssyncset.done @!p0 $0x0  }
0x99: {  	[sflag:s0] =	ssyncadd.s32 @!p0 s1  }
0x9a: {  	[bflag:$0x3] =	sbarrier.arrive $0xFFFF  }
0x9b: {  	_ =	shalt  }

// kernel: kernel.8.cloned.1.call-start
scs
__scs_entry_jumppad:
0x0: {  	(pc) =	sbr.rel $0x88, $3  }
0x1: {  	(tag) =	ssettag $0x0;
	lr =	simm.s32 $0x1  }
0x2: {  	[smem:$0x3F97] =	sst lr;
	_ =	strace $0xD0000000  }
0x3: {  	_ = 	snop  }
0x4: {  	_ = 	snop  }
0x5: {  	_ = 	snop  }
0x6: {  	_ = 	snop  }
0x7: {  	_ = 	snop  }
__scs_overlays_trampoline_lowered:
0x8: {  	[smem:$0x3FA6] =	sst s0  }
0x9: {  	[smem:$0x3FA7] =	sst s1  }
0xa: {  	[smem:$0x3FA8] =	sst s2  }
0xb: {  	[smem:$0x3FA9] =	sst s3  }
0xc: {  	[smem:$0x3FAA] =	sst s4  }
0xd: {  	[smem:$0x3FAB] =	sst s5  }
0xe: {  	[smem:$0x3FAC] =	sst s6  }
0xf: {  	[smem:$0x3FAD] =	sst s7  }
0x10: {  	[smem:$0x3FAE] =	sst s8  }
0x11: {  	[smem:$0x3FAF] =	sst s9;
	s0 =	simm.s32 @!p0 $0x0  }
0x12: {  	s1 =	sld [smem:$0x3F95];
	s0 =	simm.s32 @p0 $0x1  }
0x13: {  	[smem:$0x3FB0] =	sst s0;
	s0 =	simm.s32 @!p1 $0x0  }
0x14: {  	s2 =	sld [smem:$0x3F94];
	s0 =	simm.s32 @p1 $0x1  }
0x15: {  	[smem:$0x3FB1] =	sst s0;
	s0 =	simm.s32 @!p2 $0x0  }
0x16: {  	s3 =	sld [smem:$0x3FDB];
	s0 =	simm.s32 @p2 $0x1  }
0x17: {  	s4 =	simm.s32 $0x1BF5;
	[smem:$0x3FB3] =	sst s0  }
0x18: {  	s0 =	sld [smem:$0x3F96];
	_ =	swait.ge [sflag:s4], $0x0  }
0x19: {  	s7 =	sld [smem:$0x3F97]  }
0x1a: {  	s8 =	sadd.s32 $0xFFFFE003, lr  }
0x1b: {  	s9 =	sadd.s32 $0xFFFFFEF7, lr;
	s5 =	simm.s32 $0xFFFFFFFF;
	p2 =	slt.u32 s8, $0xFFFFF086  }
0x1c: {  	p1 =	slt.u32 s9, $0xF7A;
	s5 =	simm.s32 @!p2 $0x0  }
0x1d: {  	s5 =	simm.s32 @p1 $0x1;
	p0 =	seq.s32 s7, s2  }
0x1e: {  	s7 =	smul.u32 @!p0 $0xF7A, s2;
	p2 =	seq.s32 @!p0 s5, $0x0  }
0x1f: {  	s9 =	smul.u32 $0xF7A, s1;
	s8 =	simm.s32 @!p0 $0x1BF5;
	p2 =	por !p2, p0  }
0x20: {  	[sflag:s8] =	ssyncset.s32 @!p0 $0xFFFFF086;
	s6 =	sadd.s32 @!p0 s3, s7;
	s7 =	simm.s32 @!p0 $0x108  }
0x21: {  	s3 =	sadd.s32 s3, s9;
	s6 =	sadd.s32 @!p0 $0x88, s6;
	s7 =	simm.s32 @p2 $0x1082  }
0x22: {  	[simem:s7], [sflag:s8] =	dma.local @!p0 [hbm:s6], $0xF7A  }
0x23: {  	s9 =	sor.u32 $0xD0000000, s2;
	s6 =	simm.s32 $0x108;
	_ =	swait.ge @!p0 [sflag:s8], $0x0  }
0x24: {  	s3 =	sadd.s32 $0x88, s3;
	s6 =	simm.s32 @!p1 $0x1082;
	[sflag:s4] =	ssyncset.s32 $0xFFFFF086  }
0x25: {  	[simem:s6], [sflag:s4] =	dma.local [hbm:s3], $0xF7A  }
0x26: {  	[smem:$0x3F97] =	sst s1;
	(tag) =	ssettag s2;
	_ =	strace s9  }
0x27: {  	s1 =	sld [smem:$0x3FA7]  }
0x28: {  	s2 =	sld [smem:$0x3FA8]  }
0x29: {  	s4 =	sld [smem:$0x3FAA]  }
0x2a: {  	p0 =	seq.s32 s5, $0x0;
	s5 =	sld [smem:$0x3FAB]  }
0x2b: {  	s6 =	sld [smem:$0x3FAC]  }
0x2c: {  	s7 =	sld [smem:$0x3FAD]  }
0x2d: {  	s3 =	simm.s32 $0x108;
	s8 =	sld [smem:$0x3FAE]  }
0x2e: {  	s3 =	simm.s32 @!p0 $0x1082;
	s9 =	sld [smem:$0x3FAF]  }
0x2f: {  	lr =	sadd.s32 s0, s3;
	s0 =	sld [smem:$0x3FA6]  }
0x30: {  	s3 =	sld [smem:$0x3FA9]  }
0x31: {  	[smem:$0x3FB2] =	sst s10  }
0x32: {  	s10 =	sld [smem:$0x3FB0];
	_ =	sdelay $0x3  }
0x33: {  	p0 =	seq.s32 s10, $0x1;
	s10 =	sld [smem:$0x3FB2];
	_ =	sdelay $0x3  }
0x34: {  	[smem:$0x3FB2] =	sst s10  }
0x35: {  	s10 =	sld [smem:$0x3FB1];
	_ =	sdelay $0x3  }
0x36: {  	p1 =	seq.s32 s10, $0x1;
	s10 =	sld [smem:$0x3FB2];
	_ =	sdelay $0x3  }
0x37: {  	[smem:$0x3FB2] =	sst s10  }
0x38: {  	s10 =	sld [smem:$0x3FB3]  }
0x39: {  	_ = 	snop;
	(pc) =	sbr.ind lr, $3  }
0x3a: {  	_ = 	snop  }
0x3b: {  	_ = 	snop  }
0x3c: {  	p2 =	seq.s32 s10, $0x1;
	s10 =	sld [smem:$0x3FB2]  }
0x3d: {  	_ =	shalt  }
0x3e: {  	_ =	shalt  }
0x3f: {  	_ =	shalt  }
0x40: {  	_ =	shalt  }
0x41: {  	_ =	shalt  }
0x42: {  	_ =	shalt  }
0x43: {  	_ =	shalt  }
0x44: {  	_ =	shalt  }
0x45: {  	_ =	shalt  }
0x46: {  	_ =	shalt  }
0x47: {  	_ =	shalt  }
0x48: {  	_ =	shalt  }
0x49: {  	_ =	shalt  }
0x4a: {  	_ =	shalt  }
0x4b: {  	_ =	shalt  }
0x4c: {  	_ =	shalt  }
0x4d: {  	_ =	shalt  }
0x4e: {  	_ =	shalt  }
0x4f: {  	_ =	shalt  }
0x50: {  	_ =	shalt  }
0x51: {  	_ =	shalt  }
0x52: {  	_ =	shalt  }
0x53: {  	_ =	shalt  }
0x54: {  	_ =	shalt  }
0x55: {  	_ =	shalt  }
0x56: {  	_ =	shalt  }
0x57: {  	_ =	shalt  }
0x58: {  	_ =	shalt  }
0x59: {  	_ =	shalt  }
0x5a: {  	_ =	shalt  }
0x5b: {  	_ =	shalt  }
0x5c: {  	_ =	shalt  }
0x5d: {  	_ =	shalt  }
0x5e: {  	_ =	shalt  }
0x5f: {  	_ =	shalt  }
0x60: {  	_ =	shalt  }
0x61: {  	_ =	shalt  }
0x62: {  	_ =	shalt  }
0x63: {  	_ =	shalt  }
0x64: {  	_ =	shalt  }
0x65: {  	_ =	shalt  }
0x66: {  	_ =	shalt  }
0x67: {  	_ =	shalt  }
0x68: {  	_ =	shalt  }
0x69: {  	_ =	shalt  }
0x6a: {  	_ =	shalt  }
0x6b: {  	_ =	shalt  }
0x6c: {  	_ =	shalt  }
0x6d: {  	_ =	shalt  }
0x6e: {  	_ =	shalt  }
0x6f: {  	_ =	shalt  }
0x70: {  	_ =	shalt  }
0x71: {  	_ =	shalt  }
0x72: {  	_ =	shalt  }
0x73: {  	_ =	shalt  }
0x74: {  	_ =	shalt  }
0x75: {  	_ =	shalt  }
0x76: {  	_ =	shalt  }
0x77: {  	_ =	shalt  }
0x78: {  	_ =	shalt  }
0x79: {  	_ =	shalt  }
0x7a: {  	_ =	shalt  }
0x7b: {  	_ =	shalt  }
0x7c: {  	_ =	shalt  }
0x7d: {  	_ =	shalt  }
0x7e: {  	_ =	shalt  }
0x7f: {  	_ =	shalt  }
0x80: {  	_ =	shalt  }
0x81: {  	_ =	shalt  }
0x82: {  	_ =	shalt  }
0x83: {  	_ =	shalt  }
0x84: {  	_ =	shalt  }
0x85: {  	_ =	shalt  }
0x86: {  	_ =	shalt  }
0x87: {  	_ =	shalt  }
.Lfunc_end0:
.L_simem_size_0:
called_computation_lowered:
.L_overlay_start_0:
0x88: {  	s2 =	sld [smem:$0x3FD9]  }
0x89: {  	s3 =	sld [smem:$0x3FFE];
	_ =	sdelay $0x1  }
0x8a: {  	s1 =	srdreg.scid  }
0x8b: {  	s0 =	sand.u32 $0x1, s1  }
0x8c: {  	s16 =	sshll.u32 s0, $0xA;
	s2 =	sadd.s32 s3, s2  }
0x8d: {  	s2 =	sadd.s32 s2, s16  }
0x8e: {  	[smem:$0x3FBE] =	sst s2  }
0x8f: {  	_ = 	snop  }
0x90: {  	(tm) =	ssettm $0x1  }
0x91: {  	s17 =	sld [smem:$0x3FFB];
	_ =	sdelay $0x3  }
0x92: {  	_ =	strace s17  }
0x93: {  	s2 =	sld [smem:$0x3FFC];
	_ =	sdelay $0x3  }
0x94: {  	_ =	strace s2  }
0x95: {  	s2 =	sld [smem:$0x3FFD];
	_ =	sdelay $0x3  }
0x96: {  	_ =	strace s2  }
0x97: {  	_ =	strace $0x8FFFFFFF  }
0x98: {  	s18 =	sld [smem:$0x3FDB];
	_ =	sdelay $0x1  }
0x99: {  	s19 =	simm.s32 $_scs_section_size  }
0x9a: {  	s4 =	simm.s32 $_size__tile_overlayer_lowered;
	s5 =	simm.s32 $_tile_overlayer_lowered  }
0x9b: {  	s22 =	simm.s32 $0x1BFF;
	s21 =	sshll.u32 s5, $0x1;
	s2 =	sadd.s32 s19, s18  }
0x9c: {  	s6 =	simm.s32 $0x0;
	s20 =	sshll.u32 s4, $0x1;
	s4 =	sadd.s32 s21, s2  }
0x9d: {  	[timem:s6], [sflag:s22] =	dma.local [hbm:s4], s20  }
0x9e: {  	_ =	swait.ge [sflag:s22], s20  }
0x9f: {  	s3 =	ssub.s32 $0x0, s20;
	[sflag:s22] =	ssyncset.done $0x0  }
0xa0: {  	[sflag:s22] =	ssyncadd.s32 s3;
	_ =	sdelay $0x1  }
0xa1: {  	s23 =	simm.s32 $0x1B8B  }
0xa2: {  	_ =	swait.ge [sflag:s23], $0x1  }
0xa3: {  	[sflag:s23] =	ssyncset.done $0x0  }
0xa4: {  	s25 =	simm.s32 $0x1B8E;
	s24 =	sld [smem:$0x3FFE];
	[sflag:s23] =	ssyncadd.s32 $0xFFFFFFFF  }
0xa5: {  	s26 =	simm.s32 $execute0_lowered;
	[smem:$0x3FD2] =	sst s25  }
0xa6: {  	s4 =	sshll.u32 s26, $0x1;
	_ =	strace $0x80000046;
	[dreg:$0x1] =	wrdreg $0xFFFFFFFF  }
0xa7: {  	s28 =	simm.s32 $_size_execute0_lowered;
	s2 =	sadd.s32 s2, s4;
	[dreg:$0x0] =	wrdreg $0x0  }
0xa8: {  	s4 =	sshll.u32 s28, $0x1;
	[dreg:$0x2] =	wrdreg s2  }
0xa9: {  	[dreg:$0x3] =	wrdreg s4  }
0xaa: {  	[dreg:$0x4] =	wrdreg $0xC0  }
0xab: {  	_ =	task [dreg:s6], $0x5FFFF  }
0xac: {  	[dreg:$0x1] =	wrdreg $0xFFFFFFFF  }
0xad: {  	[dreg:$0x0] =	wrdreg $0x60  }
0xae: {  	[dreg:$0x2] =	wrdreg s24  }
0xaf: {  	[dreg:$0x3] =	wrdreg $0x40800  }
0xb0: {  	[dreg:$0x4] =	wrdreg $0x9  }
0xb1: {  	_ =	task.clear_ibuf [dreg:s6], $0x5FFFF;
	_ =	strace $0x90000046  }
0xb2: {  	s29 =	simm.s32 $0x9;
	_ =	strace $0x80000048  }
0xb3: {  	_ =	swait.ge [sflag:s29], $0x1  }
0xb4: {  	[sflag:s29] =	ssyncadd.s32 $0xFFFFFFFF  }
0xb5: {  	_ =	strace $0x90000048  }
0xb6: {  	_ =	sfence  }
0xb7: {  	s30 =	sld [smem:$0x0];
	_ =	sdelay $0x2  }
0xb8: {  	s31 =	sshll.u32 s1, $0xD;
	s1 =	sshrl.u32 s1, $0x2  }
0xb9: {  	s3 =	sand.u32 $0x4000, s31;
	s1 =	sadd.s32 s1, s30  }
0xba: {  	s0 =	sor.u32 s3, s0;
	s1 =	sshll.u32 s1, $0x11  }
0xbb: {  	s0 =	sor.u32 s1, s0  }
0xbc: {  	s0 =	sadd.s32 $0x8F2B, s0  }
0xbd: {  	[sflag:s0] =	ssyncadd.remote.s32 $0x1  }
0xbe: {  	_ =	sfence.sel $0xFFFF  }
0xbf: {  	[dreg:$0x0] =	wrdreg $0xFFFFFFFF;
	(pc) =	sbr.abs _section_cstart, $3  }
0xc0: {  	[dreg:$0x1] =	wrdreg $0xFFFFFFFF  }
0xc1: {  	_ =	task.clear_ibuf [dreg:s6], $0x2FFFF;
	_ =	strace $0x9FFFFFFF  }
0xc2: {  	(tm) =	ssettm $0x7FFFFFFF  }
0xc3: {  	_ =	shalt  }
tec
execute0_lowered:
.L_overlay_start_1:
0x0: {  	(tag) =	ssettag $0x1  }
0x1: {  	s4 =	rddreg [dreg:$0x0]  }
0x2: {  	s0 =	srdreg.scid;
	s2 =	rddreg [dreg:$0x1]  }
0x3: {  	s1 =	rddreg [dreg:$0x2];
	s5 =	sand.u32 $0x1, s0  }
0x4: {  	s0 =	stileid.u32;
	s6 =	smul.u32 $0x140000, s5  }
0x5: {  	s3 =	simm.s32 $0x0;
	s13 =	simm.s32 $0x1;
	s7 =	smul.u32 $0x14000, s0  }
0x6: {  	s16 =	simm.s32 $0x0;
	[smem:$0x7FF] =	sst s3;
	s8 =	smul.u32 $0x5000, s5  }
0x7: {  	s29 =	smul.u32 $0x50000, s0;
	_ =	strace $0x80000047;
	s5 =	ssub.s32 $0x2, s5  }
0x8: {  	s11 =	smul.u32 $0x500, s0;
	s14 =	sshll.u32 s0, $0x6;
	s31 =	sshrl.u32 s5, $0x1  }
0x9: {  	s14 =	sor.u32 $0x1C01, s14;
	s6 =	sadd.s32 s7, s6;
	s9 =	sadd.s32 s8, s4  }
0xa: {  	s30 =	sshrl.u32 s29, $0x2;
	s12 =	ssub.s32 s5, s31;
	s6 =	sshrl.u32 s6, $0x3  }
0xb: {  	s11 =	sadd.s32 s11, s9;
	s10 =	sadd.s32 s6, s4;
	s4 =	sadd.s32 s30, s2  }
0xc: {  	s11 =	sadd.s32 $0x2C00, s11;
	s5 =	sadd.s32 $0x4000, s4;
	s6 =	sadd.s32 $0x8000, s4  }
0xd: {  	s7 =	sadd.s32 $0xC000, s4;
	s8 =	sadd.s32 $0x10000, s4;
	s9 =	sadd.s32 $0xCC00, s10  }
0xe: {  	v0 =	vimm.f32 $0.0e+00;
	v1 =	vimm.f32 $1.000000000e+00;
	s10 =	smax.u32 s12, $0x1;
	s12 =	simm.s32 $0x80;
	s15 =	sshrl.u32 s4, $0x3  }
.LBB2_1:
0xf: {  	s17 =	sand.u32 $0xFE00, s3  }
0x10: {  	s18 =	sand.u32 $0x70, s3;
	s19 =	sshrl.u32 s17, $0x2  }
0x11: {  	s17 =	simm.s32 $0x40;
	s19 =	sor.u32 s18, s19;
	s18 =	simm.s32 $0x0  }
.LBB2_2:
0x12: {  	p0 =	sne.s32 s17, $0xFFC0  }
0x13: {  	[tilespmem:s19+$0x80] =	vst v0;
	s18 =	sadd.s32 $0x10, s18;
	s19 =	smov.u32 s17;
	s17 =	sadd.s32 $0x40, s17  }
.Ltmp0:
0x14: {  	(pc) =	sbr.rel @p0 .LBB2_2-.Ltmp0, $4  }
0x15: {  	_ = 	snop  }
0x16: {  	s19 =	sand.u32 $0xFE00, s19  }
0x17: {  	s20 =	sand.u32 $0x70, s18;
	s19 =	sshrl.u32 s19, $0x2  }
0x18: {  	s19 =	sor.u32 s20, s19  }
0x19: {  	[tilespmem:s19+$0x80] =	vst v0  }
0x1a: {  	[spmem:s4] =	stream.linear.scatter [tilespmem:s12], [sflag:$0x1], $0x4000, $0x38;
	[tilespmem:$0x18080] =	vst v63  }
0x1b: {  	_ =	swait.ge [sflag:s13], $0x4000  }
0x1c: {  	[sflag:s13] =	ssyncset.done $0x0  }
0x1d: {  	[sflag:s13] =	ssyncadd.s32 $0xFFFFC000  }
0x1e: {  	[spmem:s5] =	stream.linear.scatter [tilespmem:s12], [sflag:$0x1], $0x4000, $0x38;
	[tilespmem:$0x18080] =	vst v63  }
0x1f: {  	_ =	swait.ge [sflag:s13], $0x4000  }
0x20: {  	[sflag:s13] =	ssyncset.done $0x0  }
0x21: {  	[sflag:s13] =	ssyncadd.s32 $0xFFFFC000  }
0x22: {  	[spmem:s6] =	stream.linear.scatter [tilespmem:s12], [sflag:$0x1], $0x4000, $0x38;
	[tilespmem:$0x18080] =	vst v63  }
0x23: {  	_ =	swait.ge [sflag:s13], $0x4000  }
0x24: {  	[sflag:s13] =	ssyncset.done $0x0  }
0x25: {  	[sflag:s13] =	ssyncadd.s32 $0xFFFFC000  }
0x26: {  	[spmem:s7] =	stream.linear.scatter [tilespmem:s12], [sflag:$0x1], $0x4000, $0x38;
	[tilespmem:$0x18080] =	vst v63  }
0x27: {  	_ =	swait.ge [sflag:s13], $0x4000  }
0x28: {  	[sflag:s13] =	ssyncset.done $0x0  }
0x29: {  	s17 =	simm.s32 $0x0;
	[sflag:s13] =	ssyncadd.s32 $0xFFFFC000  }
0x2a: {  	[spmem:s8] =	stream.linear.scatter [tilespmem:s12], [sflag:$0x1], $0x4000, $0x38;
	[tilespmem:$0x18080] =	vst v63  }
0x2b: {  	s18 =	sand.u32 $0xFE00, s17;
	_ =	swait.ge [sflag:s13], $0x4000  }
0x2c: {  	s31 =	sand.u32 $0x70, s17;
	s20 =	sshrl.u32 s18, $0x2;
	[sflag:s13] =	ssyncset.done $0x0  }
0x2d: {  	s18 =	simm.s32 $0x40;
	s19 =	sor.u32 s31, s20;
	[sflag:s13] =	ssyncadd.s32 $0xFFFFC000  }
.LBB2_4:
0x2e: {  	p0 =	sne.s32 s18, $0xFFC0  }
0x2f: {  	[tilespmem:s19+$0x80] =	vst v1;
	s17 =	sadd.s32 $0x10, s17;
	s19 =	smov.u32 s18;
	s18 =	sadd.s32 $0x40, s18  }
.Ltmp1:
0x30: {  	(pc) =	sbr.rel @p0 .LBB2_4-.Ltmp1, $4  }
0x31: {  	_ = 	snop  }
0x32: {  	s19 =	sand.u32 $0xFE00, s19  }
0x33: {  	s20 =	sand.u32 $0x70, s17;
	s19 =	sshrl.u32 s19, $0x2  }
0x34: {  	s19 =	sor.u32 s20, s19  }
0x35: {  	[tilespmem:s19+$0x80] =	vst v1  }
0x36: {  	s17 =	sadd.s32 $0x0, s11;
	[bflag:$0x0] =	sbarrier.arrive $0xFFFF  }
0x37: {  	[tilespmem:s3], [sflag:$0x1] =	stream.linear.gather [hbm4b:s17+s3], $0x80, $0x38;
	[tilespmem:$0x18080] =	vst v63  }
0x38: {  	_ =	swait.ge [sflag:s13], $0x80  }
0x39: {  	[sflag:s13] =	ssyncset.done $0x0  }
0x3a: {  	[sflag:s13] =	ssyncadd.s32 $0xFFFFFF80  }
0x3b: {  	[spmem:s2] =	stream.indirect.scatter.add.f32 [tilespmem:s12], [sflag:$0x1], $0x80, s3, s12, $0xb8;
	[tilespmem:$0x18080] =	vst v63  }
0x3c: {  	_ =	swait.ge [sflag:s13], $0x4000  }
0x3d: {  	s18 =	simm.s32 $0x20;
	s17 =	simm.s32 $0x10;
	[sflag:s13] =	ssyncset.done $0x0  }
.LBB2_6:
0x3e: {  	s19 =	sadd.s32 s17, s11  }
0x3f: {  	[sflag:s13] =	ssyncadd.s32 $0xFFFFC000;
	s17 =	smov.u32 s18;
	s20 =	sadd.s32 $0x10, s18  }
0x40: {  	[tilespmem:s3], [sflag:$0x1] =	stream.linear.gather [hbm4b:s19+s3], $0x80, $0x38;
	[tilespmem:$0x18080] =	vst v63  }
0x41: {  	p0 =	sne.s32 s18, $0x4F0;
	_ =	swait.ge [sflag:s13], $0x80  }
.Ltmp2:
0x42: {  	[sflag:s13] =	ssyncset.done $0x0;
	(pc) =	sbr.rel @p0 .LBB2_6-.Ltmp2, $4  }
0x43: {  	[sflag:s13] =	ssyncadd.s32 $0xFFFFFF80  }
0x44: {  	[spmem:s2] =	stream.indirect.scatter.add.f32 [tilespmem:s12], [sflag:$0x1], $0x80, s3, s12, $0xb8;
	[tilespmem:$0x18080] =	vst v63  }
0x45: {  	_ =	swait.ge [sflag:s13], $0x4000  }
0x46: {  	s18 =	smov.u32 s20;
	[sflag:s13] =	ssyncset.done $0x0  }
0x47: {  	s17 =	sadd.s32 s17, s11;
	[sflag:s13] =	ssyncadd.s32 $0xFFFFC000  }
0x48: {  	[tilespmem:s3], [sflag:$0x1] =	stream.linear.gather [hbm4b:s17+s3], $0x80, $0x38;
	[tilespmem:$0x18080] =	vst v63  }
0x49: {  	_ =	swait.ge [sflag:s13], $0x80  }
0x4a: {  	[sflag:s13] =	ssyncset.done $0x0  }
0x4b: {  	[sflag:s13] =	ssyncadd.s32 $0xFFFFFF80  }
0x4c: {  	[spmem:s2] =	stream.indirect.scatter.add.f32 [tilespmem:s12], [sflag:$0x1], $0x80, s3, s12, $0xb8;
	[tilespmem:$0x18080] =	vst v63  }
0x4d: {  	_ =	swait.ge [sflag:s13], $0x4000  }
0x4e: {  	s16 =	sadd.s32 $0x1, s16;
	[sflag:s13] =	ssyncset.done $0x0  }
0x4f: {  	p0 =	sne.s32 s16, s10;
	[sflag:s13] =	ssyncadd.s32 $0xFFFFC000  }
.Ltmp3:
0x50: {  	[bflag:$0x0] =	sbarrier.arrive $0xFFFF;
	(pc) =	sbr.rel @p0 .LBB2_1-.Ltmp3, $4  }
0x51: {  	[hbm:s9], [sflag:s14] =	dma.local [spmem:s15], $0x2800  }
0x52: {  	_ =	swait.ge [sflag:s13], $0x2800  }
0x53: {  	[sflag:s13] =	ssyncset.done $0x0  }
0x54: {  	[sflag:s13] =	ssyncadd.s32 $0xFFFFD800  }
0x55: {  	_ =	sfence.sel $0x180000  }
0x56: {  	[bflag:$0x0] =	sbarrier.arrive $0xFFFF  }
0x57: {  	p0 =	sne.s32 s0, $0x0;
	_ =	strace $0x90000047  }
0x58: {  	s0 =	sadd.s32 @!p0 $0x100000, s1;
	[bflag:$0x2] =	sbarrier.arrive $0xFFFF  }
0x59: {  	[sflag:s0] =	ssyncadd.tile.s32 @!p0 $0x1;
	_ =	shalt  }
.Lfunc_end2:
_tile_overlayer_lowered:
.L_overlay_start_2:
0x5a: {  	(tag) =	ssettag $0x2  }
0x5b: {  	s0 =	rddreg [dreg:$0x0];
	s2 =	stileid.u32  }
0x5c: {  	s1 =	rddreg [dreg:$0x1];
	p0 =	sne.s32 s2, $0x0  }
0x5d: {  	s3 =	rddreg [dreg:$0x2];
	[bflag:$0x3] =	sbarrier.arrive $0xFFFF;
	s2 =	simm.s32 @!p0 $0x1C01  }
0x5e: {  	[timem:s3], [sflag:s2] =	dma.local @!p0 [hbm:s0], s1  }
0x5f: {  	s0 =	simm.s32 @!p0 $0x1  }
0x60: {  	_ =	swait.ge @!p0 [sflag:s0], s1  }
0x61: {  	s1 =	ssub.s32 @!p0 $0x0, s1;
	[sflag:s0] =	ssyncset.done @!p0 $0x0  }
0x62: {  	[sflag:s0] =	ssyncadd.s32 @!p0 s1  }
0x63: {  	[bflag:$0x3] =	sbarrier.arrive $0xFFFF  }
0x64: {  	_ =	shalt  }

</sc_bundles>
